<compile_context>
chip_gen: v7x
topology: tpu7x:2x2x1
jax: 0.10.2.dev20260603
libtpu: 0.0.44.dev20260713+nightly
codegen_flags: <defaults>
</compile_context>

<pallas_src>
import jax
import jax.numpy as jnp
from jax import lax
from jax.experimental import pallas as pl
from jax.experimental.pallas import tpu as pltpu
from jax.experimental.pallas import tpu_sc as plsc

P = 4096
D = 4096
K = 8
NC = 2
NS = 16
L = 16
NW = NC * NS
ROWS_PER_W = P // NW
R_TILE = 8
CHUNKS = D // L


def _tile_result(buf):
    zero = jnp.zeros((L,), jnp.float32)

    def body(j, carry):
        ss = list(carry[:R_TILE])
        cs = list(carry[R_TILE:])
        for r in range(R_TILE):
            v = jnp.abs(buf[r, pl.ds(j * L, L)])
            ss[r] = ss[r] + v
            cs[r] = jnp.sort(jnp.minimum(cs[r], -jnp.sort(v)))
        return (*ss, *cs)

    out = lax.fori_loop(0, CHUNKS, body, (zero,) * (2 * R_TILE), unroll=2)
    ss = out[:R_TILE]
    cs = out[R_TILE:]

    keep = lax.iota(jnp.int32, L) < K
    total = jnp.float32(0.0)
    for r in range(R_TILE):
        top8_sum = -jnp.sum(jnp.where(keep, cs[r], zero))
        row_sum = jnp.sum(ss[r])
        total = total + (top8_sum * (1.0 / K) - row_sum * (1.0 / D))
    return total


def _sc_kernel(x_hbm, out_hbm, buf0, buf1, acc_vmem, sem0, sem1):
    wid = lax.axis_index("s") * NC + lax.axis_index("c")
    base = wid * ROWS_PER_W
    n_tiles = ROWS_PER_W // R_TILE

    def src(t):
        return x_hbm.at[pl.ds(base + t * R_TILE, R_TILE), :]

    def wait(buf, sem):
        pltpu.make_async_copy(src(0), buf, sem).wait()

    pltpu.async_copy(src(0), buf0, sem0)

    def tile_pair(t, acc):
        wait(buf0, sem0)
        pltpu.async_copy(src(2 * t + 1), buf1, sem1)
        acc = acc + _tile_result(buf0)
        wait(buf1, sem1)

        @pl.when(t < n_tiles // 2 - 1)
        def _():
            pltpu.async_copy(src(2 * t + 2), buf0, sem0)

        return acc + _tile_result(buf1)

    acc = lax.fori_loop(0, n_tiles // 2, tile_pair, jnp.float32(0.0))
    acc_vmem[...] = jnp.zeros((L,), jnp.float32) + acc
    pltpu.sync_copy(acc_vmem, out_hbm.at[wid])


@jax.jit
def _run(model):
    x = model.reshape(P, D)
    mesh = plsc.VectorSubcoreMesh(core_axis_name="c", subcore_axis_name="s")
    partials = pl.kernel(
        _sc_kernel,
        out_type=jax.ShapeDtypeStruct((NW, L), jnp.float32),
        mesh=mesh,
        scratch_types=[
            pltpu.VMEM((R_TILE, D), jnp.float32),
            pltpu.VMEM((R_TILE, D), jnp.float32),
            pltpu.VMEM((L,), jnp.float32),
            pltpu.SemaphoreType.DMA,
            pltpu.SemaphoreType.DMA,
        ],
        compiler_params=pltpu.CompilerParams(needs_layout_passes=False),
    )(x)
    return jnp.sum(partials[:, 0]) * (1.0 / P)


def kernel(model):
    return _run(model)

# --- scband reference (transcript-rebuilt; emitter-appended) ---
"""Pipeline reference for scband-l1-prototype-weight-layer-75849122447601 (READ-ONLY COPY).

The authoritative reference and input builder live on the scoring server;
editing this copy changes nothing except your own understanding.
"""

import jax, jax.numpy as jnp
import numpy as np

def setup_inputs(seed: int = 0) -> dict:
    key = jax.random.key(seed)
    model = jax.random.normal(key, (4096, 1, 4096), dtype=jnp.float32)
    return {"model": model}

def reference(model):
    # model stands in for model.prototype_layer.weight_tensors
    k = 8
    abs_w = jnp.abs(jnp.squeeze(model, axis=1))  # [P, D]
    top_k_values, _ = jax.lax.top_k(abs_w, k)    # [P, k]
    mean_top_k = jnp.mean(top_k_values, axis=1)  # [P]
    mean_values = jnp.mean(abs_w, axis=1)        # [P]
    diff = jnp.mean(mean_top_k - mean_values)
    return diff

if __name__ == "__main__":
    import jax
    _d = setup_inputs()
    print(jax.jit(kernel)(*tuple(_d.values())))

</pallas_src>

<mosaic_0001>
#map = affine_map<(d0, d1) -> (0, 0)>
module attributes {stable_mosaic.version = 14 : i64} {
  func.func @_sc_kernel(%arg0: i32, %arg1: i32, %arg2: memref<4096x4096xf32, #tpu.memory_space<hbm>>, %arg3: memref<32x16xf32, #tpu.memory_space<hbm>>, %arg4: memref<8x4096xf32, #tpu.memory_space<vmem>>, %arg5: memref<8x4096xf32, #tpu.memory_space<vmem>>, %arg6: memref<16xf32, #tpu.memory_space<vmem>>, %arg7: memref<!tpu.dma_semaphore, #tpu.memory_space<semaphore_mem>>, %arg8: memref<!tpu.dma_semaphore, #tpu.memory_space<semaphore_mem>>) attributes {dimension_semantics = [#tpu.dimension_semantics<core_parallel>, #tpu.dimension_semantics<subcore_parallel>], iteration_bounds = array<i64: 2, 16>, scalar_prefetch = 0 : i64, scratch_operands = 5 : i64, tpu.core_type = #tpu.core_type<sc_vector_subcore>, window_params = [{transform_indices = #map}, {transform_indices = #map}]} {
    %mul3A = arith.constant 2 : i32
    %mul3A_0 = arith.muli %arg1, %mul3A : i32
    %add3A = arith.addi %mul3A_0, %arg0 : i32
    %mul3A_1 = arith.constant 128 : i32
    %mul3A_2 = arith.muli %add3A, %mul3A_1 : i32
    %add3A_3 = arith.constant 0 : i32
    %add3A_4 = arith.addi %mul3A_2, %add3A_3 : i32
    %dma_start3A = arith.constant 0 : i32
    %dma_start3A_5 = tpu.memref_slice %arg2[%add3A_4, %dma_start3A] : memref<4096x4096xf32, #tpu.memory_space<hbm>> -> memref<8x4096xf32, #tpu.memory_space<hbm>>
    %dma_start3A_6 = arith.constant 0 : i32
    %dma_start3A_7 = tpu.memref_slice %arg2[%add3A_4, %dma_start3A_6] : memref<4096x4096xf32, #tpu.memory_space<hbm>> -> memref<8x4096xf32, #tpu.memory_space<hbm>>
    tpu.enqueue_dma source(%dma_start3A_7 : memref<8x4096xf32, #tpu.memory_space<hbm>>) target(%arg4 : memref<8x4096xf32, #tpu.memory_space<vmem>>) target_semaphore(%arg7 : memref<!tpu.dma_semaphore, #tpu.memory_space<semaphore_mem>>)
    %scan3A = arith.constant 0.000000e+00 : f32
    %scan3A_8 = arith.constant 0 : i32
    %scan3A_9 = arith.constant 8 : i32
    %scan3A_10 = arith.addi %scan3A_8, %scan3A_9 : i32
    %scan3A_11 = arith.constant 1 : i32
    %scan3A_12 = scf.for %scan3A_18 = %scan3A_8 to %scan3A_10 step %scan3A_11 iter_args(%scan3A_19 = %scan3A) -> (f32)  : i32 {
      %add3A_20 = arith.constant 0 : i32
      %add3A_21 = arith.addi %mul3A_2, %add3A_20 : i32
      %dma_wait3A = arith.constant 0 : i32
      %dma_wait3A_22 = tpu.memref_slice %arg2[%add3A_21, %dma_wait3A] : memref<4096x4096xf32, #tpu.memory_space<hbm>> -> memref<8x4096xf32, #tpu.memory_space<hbm>>
      %dma_wait3A_23 = arith.constant 0 : i32
      %dma_wait3A_24 = tpu.memref_slice %arg2[%add3A_21, %dma_wait3A_23] : memref<4096x4096xf32, #tpu.memory_space<hbm>> -> memref<8x4096xf32, #tpu.memory_space<hbm>>
      tpu.wait_dma2 semaphore(%arg7 : memref<!tpu.dma_semaphore, #tpu.memory_space<semaphore_mem>>) src(%dma_wait3A_24 : memref<8x4096xf32, #tpu.memory_space<hbm>>) dst(%arg4 : memref<8x4096xf32, #tpu.memory_space<vmem>>)
      %mul3A_25 = arith.constant 2 : i32
      %mul3A_26 = arith.muli %mul3A_25, %scan3A_18 : i32
      %add3A_27 = arith.constant 1 : i32
      %add3A_28 = arith.addi %mul3A_26, %add3A_27 : i32
      %mul3A_29 = arith.constant 8 : i32
      %mul3A_30 = arith.muli %add3A_28, %mul3A_29 : i32
      %add3A_31 = arith.addi %mul3A_2, %mul3A_30 : i32
      %dma_start3A_32 = arith.constant 0 : i32
      %dma_start3A_33 = tpu.memref_slice %arg2[%add3A_31, %dma_start3A_32] : memref<4096x4096xf32, #tpu.memory_space<hbm>> -> memref<8x4096xf32, #tpu.memory_space<hbm>>
      %dma_start3A_34 = arith.constant 0 : i32
      %dma_start3A_35 = tpu.memref_slice %arg2[%add3A_31, %dma_start3A_34] : memref<4096x4096xf32, #tpu.memory_space<hbm>> -> memref<8x4096xf32, #tpu.memory_space<hbm>>
      tpu.enqueue_dma source(%dma_start3A_35 : memref<8x4096xf32, #tpu.memory_space<hbm>>) target(%arg5 : memref<8x4096xf32, #tpu.memory_space<vmem>>) target_semaphore(%arg8 : memref<!tpu.dma_semaphore, #tpu.memory_space<semaphore_mem>>)
      %broadcast_in_dim3A_36 = arith.constant 0.000000e+00 : f32
      %broadcast_in_dim3A_37 = vector.broadcast %broadcast_in_dim3A_36 : f32 to vector<16xf32>
      %scan3A_38 = arith.constant 0 : i32
      %scan3A_39 = arith.constant 256 : i32
      %scan3A_40 = arith.addi %scan3A_38, %scan3A_39 : i32
      %scan3A_41 = arith.constant 2 : i32
      %scan3A_42:16 = scf.for %scan3A_339 = %scan3A_38 to %scan3A_40 step %scan3A_41 iter_args(%scan3A_340 = %broadcast_in_dim3A_37, %scan3A_341 = %broadcast_in_dim3A_37, %scan3A_342 = %broadcast_in_dim3A_37, %scan3A_343 = %broadcast_in_dim3A_37, %scan3A_344 = %broadcast_in_dim3A_37, %scan3A_345 = %broadcast_in_dim3A_37, %scan3A_346 = %broadcast_in_dim3A_37, %scan3A_347 = %broadcast_in_dim3A_37, %scan3A_348 = %broadcast_in_dim3A_37, %scan3A_349 = %broadcast_in_dim3A_37, %scan3A_350 = %broadcast_in_dim3A_37, %scan3A_351 = %broadcast_in_dim3A_37, %scan3A_352 = %broadcast_in_dim3A_37, %scan3A_353 = %broadcast_in_dim3A_37, %scan3A_354 = %broadcast_in_dim3A_37, %scan3A_355 = %broadcast_in_dim3A_37) -> (vector<16xf32>, vector<16xf32>, vector<16xf32>, vector<16xf32>, vector<16xf32>, vector<16xf32>, vector<16xf32>, vector<16xf32>, vector<16xf32>, vector<16xf32>, vector<16xf32>, vector<16xf32>, vector<16xf32>, vector<16xf32>, vector<16xf32>, vector<16xf32>)  : i32 {
        %mul3A_356 = arith.constant 16 : i32
        %mul3A_357 = arith.muli %scan3A_339, %mul3A_356 : i32
        %get3A = arith.constant 0 : i32
        %get3A_358 = arith.index_cast %get3A : i32 to index
        %get3A_359 = arith.index_cast %mul3A_357 : i32 to index
        %get3A_360 = tpu.vector_load %arg4[%get3A_358, %get3A_359] {strides = array<i32>} : memref<8x4096xf32, #tpu.memory_space<vmem>>, vector<16xf32>,
        %abs3A = math.absf %get3A_360 : vector<16xf32>
        %add3A_361 = arith.addf %scan3A_340, %abs3A : vector<16xf32>
        %sort3A = arith.constant dense<true> : vector<16xi1>
        %sort3A_362, %sort3A_363, %sort3A_364 = tpu.sort %abs3A, %abs3A masked %sort3A : (vector<16xf32>, vector<16xf32>, vector<16xi1>) -> (vector<16xi1>, vector<16xf32>, vector<16xf32>)
        %neg3A_365 = arith.constant 0.000000e+00 : f32
        %neg3A_366 = vector.broadcast %neg3A_365 : f32 to vector<16xf32>
        %neg3A_367 = arith.subf %neg3A_366, %sort3A_363 : vector<16xf32>
        %min3A = arith.minimumf %scan3A_348, %neg3A_367 : vector<16xf32>
        %sort3A_368 = arith.constant dense<true> : vector<16xi1>
        %sort3A_369, %sort3A_370, %sort3A_371 = tpu.sort %min3A, %min3A masked %sort3A_368 : (vector<16xf32>, vector<16xf32>, vector<16xi1>) -> (vector<16xi1>, vector<16xf32>, vector<16xf32>)
        %mul3A_372 = arith.constant 16 : i32
        %mul3A_373 = arith.muli %scan3A_339, %mul3A_372 : i32
        %get3A_374 = arith.constant 1 : i32
        %get3A_375 = arith.index_cast %get3A_374 : i32 to index
        %get3A_376 = arith.index_cast %mul3A_373 : i32 to index
        %get3A_377 = tpu.vector_load %arg4[%get3A_375, %get3A_376] {strides = array<i32>} : memref<8x4096xf32, #tpu.memory_space<vmem>>, vector<16xf32>,
        %abs3A_378 = math.absf %get3A_377 : vector<16xf32>
        %add3A_379 = arith.addf %scan3A_341, %abs3A_378 : vector<16xf32>
        %sort3A_380 = arith.constant dense<true> : vector<16xi1>
        %sort3A_381, %sort3A_382, %sort3A_383 = tpu.sort %abs3A_378, %abs3A_378 masked %sort3A_380 : (vector<16xf32>, vector<16xf32>, vector<16xi1>) -> (vector<16xi1>, vector<16xf32>, vector<16xf32>)
        %neg3A_384 = arith.constant 0.000000e+00 : f32
        %neg3A_385 = vector.broadcast %neg3A_384 : f32 to vector<16xf32>
        %neg3A_386 = arith.subf %neg3A_385, %sort3A_382 : vector<16xf32>
        %min3A_387 = arith.minimumf %scan3A_349, %neg3A_386 : vector<16xf32>
        %sort3A_388 = arith.constant dense<true> : vector<16xi1>
        %sort3A_389, %sort3A_390, %sort3A_391 = tpu.sort %min3A_387, %min3A_387 masked %sort3A_388 : (vector<16xf32>, vector<16xf32>, vector<16xi1>) -> (vector<16xi1>, vector<16xf32>, vector<16xf32>)
        %mul3A_392 = arith.constant 16 : i32
        %mul3A_393 = arith.muli %scan3A_339, %mul3A_392 : i32
        %get3A_394 = arith.constant 2 : i32
        %get3A_395 = arith.index_cast %get3A_394 : i32 to index
        %get3A_396 = arith.index_cast %mul3A_393 : i32 to index
        %get3A_397 = tpu.vector_load %arg4[%get3A_395, %get3A_396] {strides = array<i32>} : memref<8x4096xf32, #tpu.memory_space<vmem>>, vector<16xf32>,
        %abs3A_398 = math.absf %get3A_397 : vector<16xf32>
        %add3A_399 = arith.addf %scan3A_342, %abs3A_398 : vector<16xf32>
        %sort3A_400 = arith.constant dense<true> : vector<16xi1>
        %sort3A_401, %sort3A_402, %sort3A_403 = tpu.sort %abs3A_398, %abs3A_398 masked %sort3A_400 : (vector<16xf32>, vector<16xf32>, vector<16xi1>) -> (vector<16xi1>, vector<16xf32>, vector<16xf32>)
        %neg3A_404 = arith.constant 0.000000e+00 : f32
        %neg3A_405 = vector.broadcast %neg3A_404 : f32 to vector<16xf32>
        %neg3A_406 = arith.subf %neg3A_405, %sort3A_402 : vector<16xf32>
        %min3A_407 = arith.minimumf %scan3A_350, %neg3A_406 : vector<16xf32>
        %sort3A_408 = arith.constant dense<true> : vector<16xi1>
        %sort3A_409, %sort3A_410, %sort3A_411 = tpu.sort %min3A_407, %min3A_407 masked %sort3A_408 : (vector<16xf32>, vector<16xf32>, vector<16xi1>) -> (vector<16xi1>, vector<16xf32>, vector<16xf32>)
        %mul3A_412 = arith.constant 16 : i32
        %mul3A_413 = arith.muli %scan3A_339, %mul3A_412 : i32
        %get3A_414 = arith.constant 3 : i32
        %get3A_415 = arith.index_cast %get3A_414 : i32 to index
        %get3A_416 = arith.index_cast %mul3A_413 : i32 to index
        %get3A_417 = tpu.vector_load %arg4[%get3A_415, %get3A_416] {strides = array<i32>} : memref<8x4096xf32, #tpu.memory_space<vmem>>, vector<16xf32>,
        %abs3A_418 = math.absf %get3A_417 : vector<16xf32>
        %add3A_419 = arith.addf %scan3A_343, %abs3A_418 : vector<16xf32>
        %sort3A_420 = arith.constant dense<true> : vector<16xi1>
        %sort3A_421, %sort3A_422, %sort3A_423 = tpu.sort %abs3A_418, %abs3A_418 masked %sort3A_420 : (vector<16xf32>, vector<16xf32>, vector<16xi1>) -> (vector<16xi1>, vector<16xf32>, vector<16xf32>)
        %neg3A_424 = arith.constant 0.000000e+00 : f32
        %neg3A_425 = vector.broadcast %neg3A_424 : f32 to vector<16xf32>
        %neg3A_426 = arith.subf %neg3A_425, %sort3A_422 : vector<16xf32>
        %min3A_427 = arith.minimumf %scan3A_351, %neg3A_426 : vector<16xf32>
        %sort3A_428 = arith.constant dense<true> : vector<16xi1>
        %sort3A_429, %sort3A_430, %sort3A_431 = tpu.sort %min3A_427, %min3A_427 masked %sort3A_428 : (vector<16xf32>, vector<16xf32>, vector<16xi1>) -> (vector<16xi1>, vector<16xf32>, vector<16xf32>)
        %mul3A_432 = arith.constant 16 : i32
        %mul3A_433 = arith.muli %scan3A_339, %mul3A_432 : i32
        %get3A_434 = arith.constant 4 : i32
        %get3A_435 = arith.index_cast %get3A_434 : i32 to index
        %get3A_436 = arith.index_cast %mul3A_433 : i32 to index
        %get3A_437 = tpu.vector_load %arg4[%get3A_435, %get3A_436] {strides = array<i32>} : memref<8x4096xf32, #tpu.memory_space<vmem>>, vector<16xf32>,
        %abs3A_438 = math.absf %get3A_437 : vector<16xf32>
        %add3A_439 = arith.addf %scan3A_344, %abs3A_438 : vector<16xf32>
        %sort3A_440 = arith.constant dense<true> : vector<16xi1>
        %sort3A_441, %sort3A_442, %sort3A_443 = tpu.sort %abs3A_438, %abs3A_438 masked %sort3A_440 : (vector<16xf32>, vector<16xf32>, vector<16xi1>) -> (vector<16xi1>, vector<16xf32>, vector<16xf32>)
        %neg3A_444 = arith.constant 0.000000e+00 : f32
        %neg3A_445 = vector.broadcast %neg3A_444 : f32 to vector<16xf32>
        %neg3A_446 = arith.subf %neg3A_445, %sort3A_442 : vector<16xf32>
        %min3A_447 = arith.minimumf %scan3A_352, %neg3A_446 : vector<16xf32>
        %sort3A_448 = arith.constant dense<true> : vector<16xi1>
        %sort3A_449, %sort3A_450, %sort3A_451 = tpu.sort %min3A_447, %min3A_447 masked %sort3A_448 : (vector<16xf32>, vector<16xf32>, vector<16xi1>) -> (vector<16xi1>, vector<16xf32>, vector<16xf32>)
        %mul3A_452 = arith.constant 16 : i32
        %mul3A_453 = arith.muli %scan3A_339, %mul3A_452 : i32
        %get3A_454 = arith.constant 5 : i32
        %get3A_455 = arith.index_cast %get3A_454 : i32 to index
        %get3A_456 = arith.index_cast %mul3A_453 : i32 to index
        %get3A_457 = tpu.vector_load %arg4[%get3A_455, %get3A_456] {strides = array<i32>} : memref<8x4096xf32, #tpu.memory_space<vmem>>, vector<16xf32>,
        %abs3A_458 = math.absf %get3A_457 : vector<16xf32>
        %add3A_459 = arith.addf %scan3A_345, %abs3A_458 : vector<16xf32>
        %sort3A_460 = arith.constant dense<true> : vector<16xi1>
        %sort3A_461, %sort3A_462, %sort3A_463 = tpu.sort %abs3A_458, %abs3A_458 masked %sort3A_460 : (vector<16xf32>, vector<16xf32>, vector<16xi1>) -> (vector<16xi1>, vector<16xf32>, vector<16xf32>)
        %neg3A_464 = arith.constant 0.000000e+00 : f32
        %neg3A_465 = vector.broadcast %neg3A_464 : f32 to vector<16xf32>
        %neg3A_466 = arith.subf %neg3A_465, %sort3A_462 : vector<16xf32>
        %min3A_467 = arith.minimumf %scan3A_353, %neg3A_466 : vector<16xf32>
        %sort3A_468 = arith.constant dense<true> : vector<16xi1>
        %sort3A_469, %sort3A_470, %sort3A_471 = tpu.sort %min3A_467, %min3A_467 masked %sort3A_468 : (vector<16xf32>, vector<16xf32>, vector<16xi1>) -> (vector<16xi1>, vector<16xf32>, vector<16xf32>)
        %mul3A_472 = arith.constant 16 : i32
        %mul3A_473 = arith.muli %scan3A_339, %mul3A_472 : i32
        %get3A_474 = arith.constant 6 : i32
        %get3A_475 = arith.index_cast %get3A_474 : i32 to index
        %get3A_476 = arith.index_cast %mul3A_473 : i32 to index
        %get3A_477 = tpu.vector_load %arg4[%get3A_475, %get3A_476] {strides = array<i32>} : memref<8x4096xf32, #tpu.memory_space<vmem>>, vector<16xf32>,
        %abs3A_478 = math.absf %get3A_477 : vector<16xf32>
        %add3A_479 = arith.addf %scan3A_346, %abs3A_478 : vector<16xf32>
        %sort3A_480 = arith.constant dense<true> : vector<16xi1>
        %sort3A_481, %sort3A_482, %sort3A_483 = tpu.sort %abs3A_478, %abs3A_478 masked %sort3A_480 : (vector<16xf32>, vector<16xf32>, vector<16xi1>) -> (vector<16xi1>, vector<16xf32>, vector<16xf32>)
        %neg3A_484 = arith.constant 0.000000e+00 : f32
        %neg3A_485 = vector.broadcast %neg3A_484 : f32 to vector<16xf32>
        %neg3A_486 = arith.subf %neg3A_485, %sort3A_482 : vector<16xf32>
        %min3A_487 = arith.minimumf %scan3A_354, %neg3A_486 : vector<16xf32>
        %sort3A_488 = arith.constant dense<true> : vector<16xi1>
        %sort3A_489, %sort3A_490, %sort3A_491 = tpu.sort %min3A_487, %min3A_487 masked %sort3A_488 : (vector<16xf32>, vector<16xf32>, vector<16xi1>) -> (vector<16xi1>, vector<16xf32>, vector<16xf32>)
        %mul3A_492 = arith.constant 16 : i32
        %mul3A_493 = arith.muli %scan3A_339, %mul3A_492 : i32
        %get3A_494 = arith.constant 7 : i32
        %get3A_495 = arith.index_cast %get3A_494 : i32 to index
        %get3A_496 = arith.index_cast %mul3A_493 : i32 to index
        %get3A_497 = tpu.vector_load %arg4[%get3A_495, %get3A_496] {strides = array<i32>} : memref<8x4096xf32, #tpu.memory_space<vmem>>, vector<16xf32>,
        %abs3A_498 = math.absf %get3A_497 : vector<16xf32>
        %add3A_499 = arith.addf %scan3A_347, %abs3A_498 : vector<16xf32>
        %sort3A_500 = arith.constant dense<true> : vector<16xi1>
        %sort3A_501, %sort3A_502, %sort3A_503 = tpu.sort %abs3A_498, %abs3A_498 masked %sort3A_500 : (vector<16xf32>, vector<16xf32>, vector<16xi1>) -> (vector<16xi1>, vector<16xf32>, vector<16xf32>)
        %neg3A_504 = arith.constant 0.000000e+00 : f32
        %neg3A_505 = vector.broadcast %neg3A_504 : f32 to vector<16xf32>
        %neg3A_506 = arith.subf %neg3A_505, %sort3A_502 : vector<16xf32>
        %min3A_507 = arith.minimumf %scan3A_355, %neg3A_506 : vector<16xf32>
        %sort3A_508 = arith.constant dense<true> : vector<16xi1>
        %sort3A_509, %sort3A_510, %sort3A_511 = tpu.sort %min3A_507, %min3A_507 masked %sort3A_508 : (vector<16xf32>, vector<16xf32>, vector<16xi1>) -> (vector<16xi1>, vector<16xf32>, vector<16xf32>)
        %scan3A_512 = arith.constant 1 : i32
        %scan3A_513 = arith.addi %scan3A_339, %scan3A_512 : i32
        %mul3A_514 = arith.constant 16 : i32
        %mul3A_515 = arith.muli %scan3A_513, %mul3A_514 : i32
        %get3A_516 = arith.constant 0 : i32
        %get3A_517 = arith.index_cast %get3A_516 : i32 to index
        %get3A_518 = arith.index_cast %mul3A_515 : i32 to index
        %get3A_519 = tpu.vector_load %arg4[%get3A_517, %get3A_518] {strides = array<i32>} : memref<8x4096xf32, #tpu.memory_space<vmem>>, vector<16xf32>,
        %abs3A_520 = math.absf %get3A_519 : vector<16xf32>
        %add3A_521 = arith.addf %add3A_361, %abs3A_520 : vector<16xf32>
        %sort3A_522 = arith.constant dense<true> : vector<16xi1>
        %sort3A_523, %sort3A_524, %sort3A_525 = tpu.sort %abs3A_520, %abs3A_520 masked %sort3A_522 : (vector<16xf32>, vector<16xf32>, vector<16xi1>) -> (vector<16xi1>, vector<16xf32>, vector<16xf32>)
        %neg3A_526 = arith.constant 0.000000e+00 : f32
        %neg3A_527 = vector.broadcast %neg3A_526 : f32 to vector<16xf32>
        %neg3A_528 = arith.subf %neg3A_527, %sort3A_524 : vector<16xf32>
        %min3A_529 = arith.minimumf %sort3A_370, %neg3A_528 : vector<16xf32>
        %sort3A_530 = arith.constant dense<true> : vector<16xi1>
        %sort3A_531, %sort3A_532, %sort3A_533 = tpu.sort %min3A_529, %min3A_529 masked %sort3A_530 : (vector<16xf32>, vector<16xf32>, vector<16xi1>) -> (vector<16xi1>, vector<16xf32>, vector<16xf32>)
        %mul3A_534 = arith.constant 16 : i32
        %mul3A_535 = arith.muli %scan3A_513, %mul3A_534 : i32
        %get3A_536 = arith.constant 1 : i32
        %get3A_537 = arith.index_cast %get3A_536 : i32 to index
        %get3A_538 = arith.index_cast %mul3A_535 : i32 to index
        %get3A_539 = tpu.vector_load %arg4[%get3A_537, %get3A_538] {strides = array<i32>} : memref<8x4096xf32, #tpu.memory_space<vmem>>, vector<16xf32>,
        %abs3A_540 = math.absf %get3A_539 : vector<16xf32>
        %add3A_541 = arith.addf %add3A_379, %abs3A_540 : vector<16xf32>
        %sort3A_542 = arith.constant dense<true> : vector<16xi1>
        %sort3A_543, %sort3A_544, %sort3A_545 = tpu.sort %abs3A_540, %abs3A_540 masked %sort3A_542 : (vector<16xf32>, vector<16xf32>, vector<16xi1>) -> (vector<16xi1>, vector<16xf32>, vector<16xf32>)
        %neg3A_546 = arith.constant 0.000000e+00 : f32
        %neg3A_547 = vector.broadcast %neg3A_546 : f32 to vector<16xf32>
        %neg3A_548 = arith.subf %neg3A_547, %sort3A_544 : vector<16xf32>
        %min3A_549 = arith.minimumf %sort3A_390, %neg3A_548 : vector<16xf32>
        %sort3A_550 = arith.constant dense<true> : vector<16xi1>
        %sort3A_551, %sort3A_552, %sort3A_553 = tpu.sort %min3A_549, %min3A_549 masked %sort3A_550 : (vector<16xf32>, vector<16xf32>, vector<16xi1>) -> (vector<16xi1>, vector<16xf32>, vector<16xf32>)
        %mul3A_554 = arith.constant 16 : i32
        %mul3A_555 = arith.muli %scan3A_513, %mul3A_554 : i32
        %get3A_556 = arith.constant 2 : i32
        %get3A_557 = arith.index_cast %get3A_556 : i32 to index
        %get3A_558 = arith.index_cast %mul3A_555 : i32 to index
        %get3A_559 = tpu.vector_load %arg4[%get3A_557, %get3A_558] {strides = array<i32>} : memref<8x4096xf32, #tpu.memory_space<vmem>>, vector<16xf32>,
        %abs3A_560 = math.absf %get3A_559 : vector<16xf32>
        %add3A_561 = arith.addf %add3A_399, %abs3A_560 : vector<16xf32>
        %sort3A_562 = arith.constant dense<true> : vector<16xi1>
        %sort3A_563, %sort3A_564, %sort3A_565 = tpu.sort %abs3A_560, %abs3A_560 masked %sort3A_562 : (vector<16xf32>, vector<16xf32>, vector<16xi1>) -> (vector<16xi1>, vector<16xf32>, vector<16xf32>)
        %neg3A_566 = arith.constant 0.000000e+00 : f32
        %neg3A_567 = vector.broadcast %neg3A_566 : f32 to vector<16xf32>
        %neg3A_568 = arith.subf %neg3A_567, %sort3A_564 : vector<16xf32>
        %min3A_569 = arith.minimumf %sort3A_410, %neg3A_568 : vector<16xf32>
        %sort3A_570 = arith.constant dense<true> : vector<16xi1>
        %sort3A_571, %sort3A_572, %sort3A_573 = tpu.sort %min3A_569, %min3A_569 masked %sort3A_570 : (vector<16xf32>, vector<16xf32>, vector<16xi1>) -> (vector<16xi1>, vector<16xf32>, vector<16xf32>)
        %mul3A_574 = arith.constant 16 : i32
        %mul3A_575 = arith.muli %scan3A_513, %mul3A_574 : i32
        %get3A_576 = arith.constant 3 : i32
        %get3A_577 = arith.index_cast %get3A_576 : i32 to index
        %get3A_578 = arith.index_cast %mul3A_575 : i32 to index
        %get3A_579 = tpu.vector_load %arg4[%get3A_577, %get3A_578] {strides = array<i32>} : memref<8x4096xf32, #tpu.memory_space<vmem>>, vector<16xf32>,
        %abs3A_580 = math.absf %get3A_579 : vector<16xf32>
        %add3A_581 = arith.addf %add3A_419, %abs3A_580 : vector<16xf32>
        %sort3A_582 = arith.constant dense<true> : vector<16xi1>
        %sort3A_583, %sort3A_584, %sort3A_585 = tpu.sort %abs3A_580, %abs3A_580 masked %sort3A_582 : (vector<16xf32>, vector<16xf32>, vector<16xi1>) -> (vector<16xi1>, vector<16xf32>, vector<16xf32>)
        %neg3A_586 = arith.constant 0.000000e+00 : f32
        %neg3A_587 = vector.broadcast %neg3A_586 : f32 to vector<16xf32>
        %neg3A_588 = arith.subf %neg3A_587, %sort3A_584 : vector<16xf32>
        %min3A_589 = arith.minimumf %sort3A_430, %neg3A_588 : vector<16xf32>
        %sort3A_590 = arith.constant dense<true> : vector<16xi1>
        %sort3A_591, %sort3A_592, %sort3A_593 = tpu.sort %min3A_589, %min3A_589 masked %sort3A_590 : (vector<16xf32>, vector<16xf32>, vector<16xi1>) -> (vector<16xi1>, vector<16xf32>, vector<16xf32>)
        %mul3A_594 = arith.constant 16 : i32
        %mul3A_595 = arith.muli %scan3A_513, %mul3A_594 : i32
        %get3A_596 = arith.constant 4 : i32
        %get3A_597 = arith.index_cast %get3A_596 : i32 to index
        %get3A_598 = arith.index_cast %mul3A_595 : i32 to index
        %get3A_599 = tpu.vector_load %arg4[%get3A_597, %get3A_598] {strides = array<i32>} : memref<8x4096xf32, #tpu.memory_space<vmem>>, vector<16xf32>,
        %abs3A_600 = math.absf %get3A_599 : vector<16xf32>
        %add3A_601 = arith.addf %add3A_439, %abs3A_600 : vector<16xf32>
        %sort3A_602 = arith.constant dense<true> : vector<16xi1>
        %sort3A_603, %sort3A_604, %sort3A_605 = tpu.sort %abs3A_600, %abs3A_600 masked %sort3A_602 : (vector<16xf32>, vector<16xf32>, vector<16xi1>) -> (vector<16xi1>, vector<16xf32>, vector<16xf32>)
        %neg3A_606 = arith.constant 0.000000e+00 : f32
        %neg3A_607 = vector.broadcast %neg3A_606 : f32 to vector<16xf32>
        %neg3A_608 = arith.subf %neg3A_607, %sort3A_604 : vector<16xf32>
        %min3A_609 = arith.minimumf %sort3A_450, %neg3A_608 : vector<16xf32>
        %sort3A_610 = arith.constant dense<true> : vector<16xi1>
        %sort3A_611, %sort3A_612, %sort3A_613 = tpu.sort %min3A_609, %min3A_609 masked %sort3A_610 : (vector<16xf32>, vector<16xf32>, vector<16xi1>) -> (vector<16xi1>, vector<16xf32>, vector<16xf32>)
        %mul3A_614 = arith.constant 16 : i32
        %mul3A_615 = arith.muli %scan3A_513, %mul3A_614 : i32
        %get3A_616 = arith.constant 5 : i32
        %get3A_617 = arith.index_cast %get3A_616 : i32 to index
        %get3A_618 = arith.index_cast %mul3A_615 : i32 to index
        %get3A_619 = tpu.vector_load %arg4[%get3A_617, %get3A_618] {strides = array<i32>} : memref<8x4096xf32, #tpu.memory_space<vmem>>, vector<16xf32>,
        %abs3A_620 = math.absf %get3A_619 : vector<16xf32>
        %add3A_621 = arith.addf %add3A_459, %abs3A_620 : vector<16xf32>
        %sort3A_622 = arith.constant dense<true> : vector<16xi1>
        %sort3A_623, %sort3A_624, %sort3A_625 = tpu.sort %abs3A_620, %abs3A_620 masked %sort3A_622 : (vector<16xf32>, vector<16xf32>, vector<16xi1>) -> (vector<16xi1>, vector<16xf32>, vector<16xf32>)
        %neg3A_626 = arith.constant 0.000000e+00 : f32
        %neg3A_627 = vector.broadcast %neg3A_626 : f32 to vector<16xf32>
        %neg3A_628 = arith.subf %neg3A_627, %sort3A_624 : vector<16xf32>
        %min3A_629 = arith.minimumf %sort3A_470, %neg3A_628 : vector<16xf32>
        %sort3A_630 = arith.constant dense<true> : vector<16xi1>
        %sort3A_631, %sort3A_632, %sort3A_633 = tpu.sort %min3A_629, %min3A_629 masked %sort3A_630 : (vector<16xf32>, vector<16xf32>, vector<16xi1>) -> (vector<16xi1>, vector<16xf32>, vector<16xf32>)
        %mul3A_634 = arith.constant 16 : i32
        %mul3A_635 = arith.muli %scan3A_513, %mul3A_634 : i32
        %get3A_636 = arith.constant 6 : i32
        %get3A_637 = arith.index_cast %get3A_636 : i32 to index
        %get3A_638 = arith.index_cast %mul3A_635 : i32 to index
        %get3A_639 = tpu.vector_load %arg4[%get3A_637, %get3A_638] {strides = array<i32>} : memref<8x4096xf32, #tpu.memory_space<vmem>>, vector<16xf32>,
        %abs3A_640 = math.absf %get3A_639 : vector<16xf32>
        %add3A_641 = arith.addf %add3A_479, %abs3A_640 : vector<16xf32>
        %sort3A_642 = arith.constant dense<true> : vector<16xi1>
        %sort3A_643, %sort3A_644, %sort3A_645 = tpu.sort %abs3A_640, %abs3A_640 masked %sort3A_642 : (vector<16xf32>, vector<16xf32>, vector<16xi1>) -> (vector<16xi1>, vector<16xf32>, vector<16xf32>)
        %neg3A_646 = arith.constant 0.000000e+00 : f32
        %neg3A_647 = vector.broadcast %neg3A_646 : f32 to vector<16xf32>
        %neg3A_648 = arith.subf %neg3A_647, %sort3A_644 : vector<16xf32>
        %min3A_649 = arith.minimumf %sort3A_490, %neg3A_648 : vector<16xf32>
        %sort3A_650 = arith.constant dense<true> : vector<16xi1>
        %sort3A_651, %sort3A_652, %sort3A_653 = tpu.sort %min3A_649, %min3A_649 masked %sort3A_650 : (vector<16xf32>, vector<16xf32>, vector<16xi1>) -> (vector<16xi1>, vector<16xf32>, vector<16xf32>)
        %mul3A_654 = arith.constant 16 : i32
        %mul3A_655 = arith.muli %scan3A_513, %mul3A_654 : i32
        %get3A_656 = arith.constant 7 : i32
        %get3A_657 = arith.index_cast %get3A_656 : i32 to index
        %get3A_658 = arith.index_cast %mul3A_655 : i32 to index
        %get3A_659 = tpu.vector_load %arg4[%get3A_657, %get3A_658] {strides = array<i32>} : memref<8x4096xf32, #tpu.memory_space<vmem>>, vector<16xf32>,
        %abs3A_660 = math.absf %get3A_659 : vector<16xf32>
        %add3A_661 = arith.addf %add3A_499, %abs3A_660 : vector<16xf32>
        %sort3A_662 = arith.constant dense<true> : vector<16xi1>
        %sort3A_663, %sort3A_664, %sort3A_665 = tpu.sort %abs3A_660, %abs3A_660 masked %sort3A_662 : (vector<16xf32>, vector<16xf32>, vector<16xi1>) -> (vector<16xi1>, vector<16xf32>, vector<16xf32>)
        %neg3A_666 = arith.constant 0.000000e+00 : f32
        %neg3A_667 = vector.broadcast %neg3A_666 : f32 to vector<16xf32>
        %neg3A_668 = arith.subf %neg3A_667, %sort3A_664 : vector<16xf32>
        %min3A_669 = arith.minimumf %sort3A_510, %neg3A_668 : vector<16xf32>
        %sort3A_670 = arith.constant dense<true> : vector<16xi1>
        %sort3A_671, %sort3A_672, %sort3A_673 = tpu.sort %min3A_669, %min3A_669 masked %sort3A_670 : (vector<16xf32>, vector<16xf32>, vector<16xi1>) -> (vector<16xi1>, vector<16xf32>, vector<16xf32>)
        scf.yield %add3A_521, %add3A_541, %add3A_561, %add3A_581, %add3A_601, %add3A_621, %add3A_641, %add3A_661, %sort3A_532, %sort3A_552, %sort3A_572, %sort3A_592, %sort3A_612, %sort3A_632, %sort3A_652, %sort3A_672 : vector<16xf32>, vector<16xf32>, vector<16xf32>, vector<16xf32>, vector<16xf32>, vector<16xf32>, vector<16xf32>, vector<16xf32>, vector<16xf32>, vector<16xf32>, vector<16xf32>, vector<16xf32>, vector<16xf32>, vector<16xf32>, vector<16xf32>, vector<16xf32>
      }
      %scan3A_43 = arith.constant 256 : i32
      %iota3A = tpu.iota {dimensions = array<i32: 0>} : vector<16xi32>
      %lt3A = arith.constant 8 : i32
      %lt3A_44 = vector.broadcast %lt3A : i32 to vector<16xi32>
      %lt3A_45 = arith.cmpi slt, %iota3A, %lt3A_44 : vector<16xi32>
      %select_n3A = arith.select %lt3A_45, %scan3A_42#8, %broadcast_in_dim3A_37 : vector<16xi1>, vector<16xf32>
      %reduce_sum3A = arith.constant true
      %reduce_sum3A_46 = vector.broadcast %reduce_sum3A : i1 to vector<16xi1>
      %reduce_sum3A_47 = tpu.scan <sum>, %select_n3A masked %reduce_sum3A_46 : vector<16xf32>, vector<16xi1> -> vector<16xf32>
      %reduce_sum3A_48 = vector.extract %reduce_sum3A_47[15] : f32 from vector<16xf32>
      %neg3A = arith.constant 0.000000e+00 : f32
      %neg3A_49 = arith.subf %neg3A, %reduce_sum3A_48 : f32
      %reduce_sum3A_50 = arith.constant true
      %reduce_sum3A_51 = vector.broadcast %reduce_sum3A_50 : i1 to vector<16xi1>
      %reduce_sum3A_52 = tpu.scan <sum>, %scan3A_42#0 masked %reduce_sum3A_51 : vector<16xf32>, vector<16xi1> -> vector<16xf32>
      %reduce_sum3A_53 = vector.extract %reduce_sum3A_52[15] : f32 from vector<16xf32>
      %mul3A_54 = arith.constant 1.250000e-01 : f32
      %mul3A_55 = arith.mulf %neg3A_49, %mul3A_54 : f32
      %mul3A_56 = arith.constant 2.44140625E-4 : f32
      %mul3A_57 = arith.mulf %reduce_sum3A_53, %mul3A_56 : f32
      %sub3A = arith.subf %mul3A_55, %mul3A_57 : f32
      %add3A_58 = arith.constant 0.000000e+00 : f32
      %add3A_59 = arith.addf %add3A_58, %sub3A : f32
      %select_n3A_60 = arith.select %lt3A_45, %scan3A_42#9, %broadcast_in_dim3A_37 : vector<16xi1>, vector<16xf32>
      %reduce_sum3A_61 = arith.constant true
      %reduce_sum3A_62 = vector.broadcast %reduce_sum3A_61 : i1 to vector<16xi1>
      %reduce_sum3A_63 = tpu.scan <sum>, %select_n3A_60 masked %reduce_sum3A_62 : vector<16xf32>, vector<16xi1> -> vector<16xf32>
      %reduce_sum3A_64 = vector.extract %reduce_sum3A_63[15] : f32 from vector<16xf32>
      %neg3A_65 = arith.constant 0.000000e+00 : f32
      %neg3A_66 = arith.subf %neg3A_65, %reduce_sum3A_64 : f32
      %reduce_sum3A_67 = arith.constant true
      %reduce_sum3A_68 = vector.broadcast %reduce_sum3A_67 : i1 to vector<16xi1>
      %reduce_sum3A_69 = tpu.scan <sum>, %scan3A_42#1 masked %reduce_sum3A_68 : vector<16xf32>, vector<16xi1> -> vector<16xf32>
      %reduce_sum3A_70 = vector.extract %reduce_sum3A_69[15] : f32 from vector<16xf32>
      %mul3A_71 = arith.constant 1.250000e-01 : f32
      %mul3A_72 = arith.mulf %neg3A_66, %mul3A_71 : f32
      %mul3A_73 = arith.constant 2.44140625E-4 : f32
      %mul3A_74 = arith.mulf %reduce_sum3A_70, %mul3A_73 : f32
      %sub3A_75 = arith.subf %mul3A_72, %mul3A_74 : f32
      %add3A_76 = arith.addf %add3A_59, %sub3A_75 : f32
      %select_n3A_77 = arith.select %lt3A_45, %scan3A_42#10, %broadcast_in_dim3A_37 : vector<16xi1>, vector<16xf32>
      %reduce_sum3A_78 = arith.constant true
      %reduce_sum3A_79 = vector.broadcast %reduce_sum3A_78 : i1 to vector<16xi1>
      %reduce_sum3A_80 = tpu.scan <sum>, %select_n3A_77 masked %reduce_sum3A_79 : vector<16xf32>, vector<16xi1> -> vector<16xf32>
      %reduce_sum3A_81 = vector.extract %reduce_sum3A_80[15] : f32 from vector<16xf32>
      %neg3A_82 = arith.constant 0.000000e+00 : f32
      %neg3A_83 = arith.subf %neg3A_82, %reduce_sum3A_81 : f32
      %reduce_sum3A_84 = arith.constant true
      %reduce_sum3A_85 = vector.broadcast %reduce_sum3A_84 : i1 to vector<16xi1>
      %reduce_sum3A_86 = tpu.scan <sum>, %scan3A_42#2 masked %reduce_sum3A_85 : vector<16xf32>, vector<16xi1> -> vector<16xf32>
      %reduce_sum3A_87 = vector.extract %reduce_sum3A_86[15] : f32 from vector<16xf32>
      %mul3A_88 = arith.constant 1.250000e-01 : f32
      %mul3A_89 = arith.mulf %neg3A_83, %mul3A_88 : f32
      %mul3A_90 = arith.constant 2.44140625E-4 : f32
      %mul3A_91 = arith.mulf %reduce_sum3A_87, %mul3A_90 : f32
      %sub3A_92 = arith.subf %mul3A_89, %mul3A_91 : f32
      %add3A_93 = arith.addf %add3A_76, %sub3A_92 : f32
      %select_n3A_94 = arith.select %lt3A_45, %scan3A_42#11, %broadcast_in_dim3A_37 : vector<16xi1>, vector<16xf32>
      %reduce_sum3A_95 = arith.constant true
      %reduce_sum3A_96 = vector.broadcast %reduce_sum3A_95 : i1 to vector<16xi1>
      %reduce_sum3A_97 = tpu.scan <sum>, %select_n3A_94 masked %reduce_sum3A_96 : vector<16xf32>, vector<16xi1> -> vector<16xf32>
      %reduce_sum3A_98 = vector.extract %reduce_sum3A_97[15] : f32 from vector<16xf32>
      %neg3A_99 = arith.constant 0.000000e+00 : f32
      %neg3A_100 = arith.subf %neg3A_99, %reduce_sum3A_98 : f32
      %reduce_sum3A_101 = arith.constant true
      %reduce_sum3A_102 = vector.broadcast %reduce_sum3A_101 : i1 to vector<16xi1>
      %reduce_sum3A_103 = tpu.scan <sum>, %scan3A_42#3 masked %reduce_sum3A_102 : vector<16xf32>, vector<16xi1> -> vector<16xf32>
      %reduce_sum3A_104 = vector.extract %reduce_sum3A_103[15] : f32 from vector<16xf32>
      %mul3A_105 = arith.constant 1.250000e-01 : f32
      %mul3A_106 = arith.mulf %neg3A_100, %mul3A_105 : f32
      %mul3A_107 = arith.constant 2.44140625E-4 : f32
      %mul3A_108 = arith.mulf %reduce_sum3A_104, %mul3A_107 : f32
      %sub3A_109 = arith.subf %mul3A_106, %mul3A_108 : f32
      %add3A_110 = arith.addf %add3A_93, %sub3A_109 : f32
      %select_n3A_111 = arith.select %lt3A_45, %scan3A_42#12, %broadcast_in_dim3A_37 : vector<16xi1>, vector<16xf32>
      %reduce_sum3A_112 = arith.constant true
      %reduce_sum3A_113 = vector.broadcast %reduce_sum3A_112 : i1 to vector<16xi1>
      %reduce_sum3A_114 = tpu.scan <sum>, %select_n3A_111 masked %reduce_sum3A_113 : vector<16xf32>, vector<16xi1> -> vector<16xf32>
      %reduce_sum3A_115 = vector.extract %reduce_sum3A_114[15] : f32 from vector<16xf32>
      %neg3A_116 = arith.constant 0.000000e+00 : f32
      %neg3A_117 = arith.subf %neg3A_116, %reduce_sum3A_115 : f32
      %reduce_sum3A_118 = arith.constant true
      %reduce_sum3A_119 = vector.broadcast %reduce_sum3A_118 : i1 to vector<16xi1>
      %reduce_sum3A_120 = tpu.scan <sum>, %scan3A_42#4 masked %reduce_sum3A_119 : vector<16xf32>, vector<16xi1> -> vector<16xf32>
      %reduce_sum3A_121 = vector.extract %reduce_sum3A_120[15] : f32 from vector<16xf32>
      %mul3A_122 = arith.constant 1.250000e-01 : f32
      %mul3A_123 = arith.mulf %neg3A_117, %mul3A_122 : f32
      %mul3A_124 = arith.constant 2.44140625E-4 : f32
      %mul3A_125 = arith.mulf %reduce_sum3A_121, %mul3A_124 : f32
      %sub3A_126 = arith.subf %mul3A_123, %mul3A_125 : f32
      %add3A_127 = arith.addf %add3A_110, %sub3A_126 : f32
      %select_n3A_128 = arith.select %lt3A_45, %scan3A_42#13, %broadcast_in_dim3A_37 : vector<16xi1>, vector<16xf32>
      %reduce_sum3A_129 = arith.constant true
      %reduce_sum3A_130 = vector.broadcast %reduce_sum3A_129 : i1 to vector<16xi1>
      %reduce_sum3A_131 = tpu.scan <sum>, %select_n3A_128 masked %reduce_sum3A_130 : vector<16xf32>, vector<16xi1> -> vector<16xf32>
      %reduce_sum3A_132 = vector.extract %reduce_sum3A_131[15] : f32 from vector<16xf32>
      %neg3A_133 = arith.constant 0.000000e+00 : f32
      %neg3A_134 = arith.subf %neg3A_133, %reduce_sum3A_132 : f32
      %reduce_sum3A_135 = arith.constant true
      %reduce_sum3A_136 = vector.broadcast %reduce_sum3A_135 : i1 to vector<16xi1>
      %reduce_sum3A_137 = tpu.scan <sum>, %scan3A_42#5 masked %reduce_sum3A_136 : vector<16xf32>, vector<16xi1> -> vector<16xf32>
      %reduce_sum3A_138 = vector.extract %reduce_sum3A_137[15] : f32 from vector<16xf32>
      %mul3A_139 = arith.constant 1.250000e-01 : f32
      %mul3A_140 = arith.mulf %neg3A_134, %mul3A_139 : f32
      %mul3A_141 = arith.constant 2.44140625E-4 : f32
      %mul3A_142 = arith.mulf %reduce_sum3A_138, %mul3A_141 : f32
      %sub3A_143 = arith.subf %mul3A_140, %mul3A_142 : f32
      %add3A_144 = arith.addf %add3A_127, %sub3A_143 : f32
      %select_n3A_145 = arith.select %lt3A_45, %scan3A_42#14, %broadcast_in_dim3A_37 : vector<16xi1>, vector<16xf32>
      %reduce_sum3A_146 = arith.constant true
      %reduce_sum3A_147 = vector.broadcast %reduce_sum3A_146 : i1 to vector<16xi1>
      %reduce_sum3A_148 = tpu.scan <sum>, %select_n3A_145 masked %reduce_sum3A_147 : vector<16xf32>, vector<16xi1> -> vector<16xf32>
      %reduce_sum3A_149 = vector.extract %reduce_sum3A_148[15] : f32 from vector<16xf32>
      %neg3A_150 = arith.constant 0.000000e+00 : f32
      %neg3A_151 = arith.subf %neg3A_150, %reduce_sum3A_149 : f32
      %reduce_sum3A_152 = arith.constant true
      %reduce_sum3A_153 = vector.broadcast %reduce_sum3A_152 : i1 to vector<16xi1>
      %reduce_sum3A_154 = tpu.scan <sum>, %scan3A_42#6 masked %reduce_sum3A_153 : vector<16xf32>, vector<16xi1> -> vector<16xf32>
      %reduce_sum3A_155 = vector.extract %reduce_sum3A_154[15] : f32 from vector<16xf32>
      %mul3A_156 = arith.constant 1.250000e-01 : f32
      %mul3A_157 = arith.mulf %neg3A_151, %mul3A_156 : f32
      %mul3A_158 = arith.constant 2.44140625E-4 : f32
      %mul3A_159 = arith.mulf %reduce_sum3A_155, %mul3A_158 : f32
      %sub3A_160 = arith.subf %mul3A_157, %mul3A_159 : f32
      %add3A_161 = arith.addf %add3A_144, %sub3A_160 : f32
      %select_n3A_162 = arith.select %lt3A_45, %scan3A_42#15, %broadcast_in_dim3A_37 : vector<16xi1>, vector<16xf32>
      %reduce_sum3A_163 = arith.constant true
      %reduce_sum3A_164 = vector.broadcast %reduce_sum3A_163 : i1 to vector<16xi1>
      %reduce_sum3A_165 = tpu.scan <sum>, %select_n3A_162 masked %reduce_sum3A_164 : vector<16xf32>, vector<16xi1> -> vector<16xf32>
      %reduce_sum3A_166 = vector.extract %reduce_sum3A_165[15] : f32 from vector<16xf32>
      %neg3A_167 = arith.constant 0.000000e+00 : f32
      %neg3A_168 = arith.subf %neg3A_167, %reduce_sum3A_166 : f32
      %reduce_sum3A_169 = arith.constant true
      %reduce_sum3A_170 = vector.broadcast %reduce_sum3A_169 : i1 to vector<16xi1>
      %reduce_sum3A_171 = tpu.scan <sum>, %scan3A_42#7 masked %reduce_sum3A_170 : vector<16xf32>, vector<16xi1> -> vector<16xf32>
      %reduce_sum3A_172 = vector.extract %reduce_sum3A_171[15] : f32 from vector<16xf32>
      %mul3A_173 = arith.constant 1.250000e-01 : f32
      %mul3A_174 = arith.mulf %neg3A_168, %mul3A_173 : f32
      %mul3A_175 = arith.constant 2.44140625E-4 : f32
      %mul3A_176 = arith.mulf %reduce_sum3A_172, %mul3A_175 : f32
      %sub3A_177 = arith.subf %mul3A_174, %mul3A_176 : f32
      %add3A_178 = arith.addf %add3A_161, %sub3A_177 : f32
      %add3A_179 = arith.addf %scan3A_19, %add3A_178 : f32
      %add3A_180 = arith.constant 0 : i32
      %add3A_181 = arith.addi %mul3A_2, %add3A_180 : i32
      %dma_wait3A_182 = arith.constant 0 : i32
      %dma_wait3A_183 = tpu.memref_slice %arg2[%add3A_181, %dma_wait3A_182] : memref<4096x4096xf32, #tpu.memory_space<hbm>> -> memref<8x4096xf32, #tpu.memory_space<hbm>>
      %dma_wait3A_184 = arith.constant 0 : i32
      %dma_wait3A_185 = tpu.memref_slice %arg2[%add3A_181, %dma_wait3A_184] : memref<4096x4096xf32, #tpu.memory_space<hbm>> -> memref<8x4096xf32, #tpu.memory_space<hbm>>
      tpu.wait_dma2 semaphore(%arg8 : memref<!tpu.dma_semaphore, #tpu.memory_space<semaphore_mem>>) src(%dma_wait3A_185 : memref<8x4096xf32, #tpu.memory_space<hbm>>) dst(%arg5 : memref<8x4096xf32, #tpu.memory_space<vmem>>)
      %lt3A_186 = arith.constant 7 : i32
      %lt3A_187 = arith.cmpi slt, %scan3A_18, %lt3A_186 : i32
      %convert_element_type3A = arith.extui %lt3A_187 : i1 to i32
      %cond3A = arith.constant 0 : i32
      %cond3A_188 = arith.cmpi ne, %convert_element_type3A, %cond3A : i32
      scf.if %cond3A_188 {
        %mul3A_339 = arith.constant 2 : i32
        %mul3A_340 = arith.muli %mul3A_339, %scan3A_18 : i32
        %add3A_341 = arith.constant 2 : i32
        %add3A_342 = arith.addi %mul3A_340, %add3A_341 : i32
        %mul3A_343 = arith.constant 8 : i32
        %mul3A_344 = arith.muli %add3A_342, %mul3A_343 : i32
        %add3A_345 = arith.addi %mul3A_2, %mul3A_344 : i32
        %dma_start3A_346 = arith.constant 0 : i32
        %dma_start3A_347 = tpu.memref_slice %arg2[%add3A_345, %dma_start3A_346] : memref<4096x4096xf32, #tpu.memory_space<hbm>> -> memref<8x4096xf32, #tpu.memory_space<hbm>>
        %dma_start3A_348 = arith.constant 0 : i32
        %dma_start3A_349 = tpu.memref_slice %arg2[%add3A_345, %dma_start3A_348] : memref<4096x4096xf32, #tpu.memory_space<hbm>> -> memref<8x4096xf32, #tpu.memory_space<hbm>>
        tpu.enqueue_dma source(%dma_start3A_349 : memref<8x4096xf32, #tpu.memory_space<hbm>>) target(%arg4 : memref<8x4096xf32, #tpu.memory_space<vmem>>) target_semaphore(%arg7 : memref<!tpu.dma_semaphore, #tpu.memory_space<semaphore_mem>>)
      } else {
      }
      %broadcast_in_dim3A_189 = arith.constant 0.000000e+00 : f32
      %broadcast_in_dim3A_190 = vector.broadcast %broadcast_in_dim3A_189 : f32 to vector<16xf32>
      %scan3A_191 = arith.constant 0 : i32
      %scan3A_192 = arith.constant 256 : i32
      %scan3A_193 = arith.addi %scan3A_191, %scan3A_192 : i32
      %scan3A_194 = arith.constant 2 : i32
      %scan3A_195:16 = scf.for %scan3A_339 = %scan3A_191 to %scan3A_193 step %scan3A_194 iter_args(%scan3A_340 = %broadcast_in_dim3A_190, %scan3A_341 = %broadcast_in_dim3A_190, %scan3A_342 = %broadcast_in_dim3A_190, %scan3A_343 = %broadcast_in_dim3A_190, %scan3A_344 = %broadcast_in_dim3A_190, %scan3A_345 = %broadcast_in_dim3A_190, %scan3A_346 = %broadcast_in_dim3A_190, %scan3A_347 = %broadcast_in_dim3A_190, %scan3A_348 = %broadcast_in_dim3A_190, %scan3A_349 = %broadcast_in_dim3A_190, %scan3A_350 = %broadcast_in_dim3A_190, %scan3A_351 = %broadcast_in_dim3A_190, %scan3A_352 = %broadcast_in_dim3A_190, %scan3A_353 = %broadcast_in_dim3A_190, %scan3A_354 = %broadcast_in_dim3A_190, %scan3A_355 = %broadcast_in_dim3A_190) -> (vector<16xf32>, vector<16xf32>, vector<16xf32>, vector<16xf32>, vector<16xf32>, vector<16xf32>, vector<16xf32>, vector<16xf32>, vector<16xf32>, vector<16xf32>, vector<16xf32>, vector<16xf32>, vector<16xf32>, vector<16xf32>, vector<16xf32>, vector<16xf32>)  : i32 {
        %mul3A_356 = arith.constant 16 : i32
        %mul3A_357 = arith.muli %scan3A_339, %mul3A_356 : i32
        %get3A = arith.constant 0 : i32
        %get3A_358 = arith.index_cast %get3A : i32 to index
        %get3A_359 = arith.index_cast %mul3A_357 : i32 to index
        %get3A_360 = tpu.vector_load %arg5[%get3A_358, %get3A_359] {strides = array<i32>} : memref<8x4096xf32, #tpu.memory_space<vmem>>, vector<16xf32>,
        %abs3A = math.absf %get3A_360 : vector<16xf32>
        %add3A_361 = arith.addf %scan3A_340, %abs3A : vector<16xf32>
        %sort3A = arith.constant dense<true> : vector<16xi1>
        %sort3A_362, %sort3A_363, %sort3A_364 = tpu.sort %abs3A, %abs3A masked %sort3A : (vector<16xf32>, vector<16xf32>, vector<16xi1>) -> (vector<16xi1>, vector<16xf32>, vector<16xf32>)
        %neg3A_365 = arith.constant 0.000000e+00 : f32
        %neg3A_366 = vector.broadcast %neg3A_365 : f32 to vector<16xf32>
        %neg3A_367 = arith.subf %neg3A_366, %sort3A_363 : vector<16xf32>
        %min3A = arith.minimumf %scan3A_348, %neg3A_367 : vector<16xf32>
        %sort3A_368 = arith.constant dense<true> : vector<16xi1>
        %sort3A_369, %sort3A_370, %sort3A_371 = tpu.sort %min3A, %min3A masked %sort3A_368 : (vector<16xf32>, vector<16xf32>, vector<16xi1>) -> (vector<16xi1>, vector<16xf32>, vector<16xf32>)
        %mul3A_372 = arith.constant 16 : i32
        %mul3A_373 = arith.muli %scan3A_339, %mul3A_372 : i32
        %get3A_374 = arith.constant 1 : i32
        %get3A_375 = arith.index_cast %get3A_374 : i32 to index
        %get3A_376 = arith.index_cast %mul3A_373 : i32 to index
        %get3A_377 = tpu.vector_load %arg5[%get3A_375, %get3A_376] {strides = array<i32>} : memref<8x4096xf32, #tpu.memory_space<vmem>>, vector<16xf32>,
        %abs3A_378 = math.absf %get3A_377 : vector<16xf32>
        %add3A_379 = arith.addf %scan3A_341, %abs3A_378 : vector<16xf32>
        %sort3A_380 = arith.constant dense<true> : vector<16xi1>
        %sort3A_381, %sort3A_382, %sort3A_383 = tpu.sort %abs3A_378, %abs3A_378 masked %sort3A_380 : (vector<16xf32>, vector<16xf32>, vector<16xi1>) -> (vector<16xi1>, vector<16xf32>, vector<16xf32>)
        %neg3A_384 = arith.constant 0.000000e+00 : f32
        %neg3A_385 = vector.broadcast %neg3A_384 : f32 to vector<16xf32>
        %neg3A_386 = arith.subf %neg3A_385, %sort3A_382 : vector<16xf32>
        %min3A_387 = arith.minimumf %scan3A_349, %neg3A_386 : vector<16xf32>
        %sort3A_388 = arith.constant dense<true> : vector<16xi1>
        %sort3A_389, %sort3A_390, %sort3A_391 = tpu.sort %min3A_387, %min3A_387 masked %sort3A_388 : (vector<16xf32>, vector<16xf32>, vector<16xi1>) -> (vector<16xi1>, vector<16xf32>, vector<16xf32>)
        %mul3A_392 = arith.constant 16 : i32
        %mul3A_393 = arith.muli %scan3A_339, %mul3A_392 : i32
        %get3A_394 = arith.constant 2 : i32
        %get3A_395 = arith.index_cast %get3A_394 : i32 to index
        %get3A_396 = arith.index_cast %mul3A_393 : i32 to index
        %get3A_397 = tpu.vector_load %arg5[%get3A_395, %get3A_396] {strides = array<i32>} : memref<8x4096xf32, #tpu.memory_space<vmem>>, vector<16xf32>,
        %abs3A_398 = math.absf %get3A_397 : vector<16xf32>
        %add3A_399 = arith.addf %scan3A_342, %abs3A_398 : vector<16xf32>
        %sort3A_400 = arith.constant dense<true> : vector<16xi1>
        %sort3A_401, %sort3A_402, %sort3A_403 = tpu.sort %abs3A_398, %abs3A_398 masked %sort3A_400 : (vector<16xf32>, vector<16xf32>, vector<16xi1>) -> (vector<16xi1>, vector<16xf32>, vector<16xf32>)
        %neg3A_404 = arith.constant 0.000000e+00 : f32
        %neg3A_405 = vector.broadcast %neg3A_404 : f32 to vector<16xf32>
        %neg3A_406 = arith.subf %neg3A_405, %sort3A_402 : vector<16xf32>
        %min3A_407 = arith.minimumf %scan3A_350, %neg3A_406 : vector<16xf32>
        %sort3A_408 = arith.constant dense<true> : vector<16xi1>
        %sort3A_409, %sort3A_410, %sort3A_411 = tpu.sort %min3A_407, %min3A_407 masked %sort3A_408 : (vector<16xf32>, vector<16xf32>, vector<16xi1>) -> (vector<16xi1>, vector<16xf32>, vector<16xf32>)
        %mul3A_412 = arith.constant 16 : i32
        %mul3A_413 = arith.muli %scan3A_339, %mul3A_412 : i32
        %get3A_414 = arith.constant 3 : i32
        %get3A_415 = arith.index_cast %get3A_414 : i32 to index
        %get3A_416 = arith.index_cast %mul3A_413 : i32 to index
        %get3A_417 = tpu.vector_load %arg5[%get3A_415, %get3A_416] {strides = array<i32>} : memref<8x4096xf32, #tpu.memory_space<vmem>>, vector<16xf32>,
        %abs3A_418 = math.absf %get3A_417 : vector<16xf32>
        %add3A_419 = arith.addf %scan3A_343, %abs3A_418 : vector<16xf32>
        %sort3A_420 = arith.constant dense<true> : vector<16xi1>
        %sort3A_421, %sort3A_422, %sort3A_423 = tpu.sort %abs3A_418, %abs3A_418 masked %sort3A_420 : (vector<16xf32>, vector<16xf32>, vector<16xi1>) -> (vector<16xi1>, vector<16xf32>, vector<16xf32>)
        %neg3A_424 = arith.constant 0.000000e+00 : f32
        %neg3A_425 = vector.broadcast %neg3A_424 : f32 to vector<16xf32>
        %neg3A_426 = arith.subf %neg3A_425, %sort3A_422 : vector<16xf32>
        %min3A_427 = arith.minimumf %scan3A_351, %neg3A_426 : vector<16xf32>
        %sort3A_428 = arith.constant dense<true> : vector<16xi1>
        %sort3A_429, %sort3A_430, %sort3A_431 = tpu.sort %min3A_427, %min3A_427 masked %sort3A_428 : (vector<16xf32>, vector<16xf32>, vector<16xi1>) -> (vector<16xi1>, vector<16xf32>, vector<16xf32>)
        %mul3A_432 = arith.constant 16 : i32
        %mul3A_433 = arith.muli %scan3A_339, %mul3A_432 : i32
        %get3A_434 = arith.constant 4 : i32
        %get3A_435 = arith.index_cast %get3A_434 : i32 to index
        %get3A_436 = arith.index_cast %mul3A_433 : i32 to index
        %get3A_437 = tpu.vector_load %arg5[%get3A_435, %get3A_436] {strides = array<i32>} : memref<8x4096xf32, #tpu.memory_space<vmem>>, vector<16xf32>,
        %abs3A_438 = math.absf %get3A_437 : vector<16xf32>
        %add3A_439 = arith.addf %scan3A_344, %abs3A_438 : vector<16xf32>
        %sort3A_440 = arith.constant dense<true> : vector<16xi1>
        %sort3A_441, %sort3A_442, %sort3A_443 = tpu.sort %abs3A_438, %abs3A_438 masked %sort3A_440 : (vector<16xf32>, vector<16xf32>, vector<16xi1>) -> (vector<16xi1>, vector<16xf32>, vector<16xf32>)
        %neg3A_444 = arith.constant 0.000000e+00 : f32
        %neg3A_445 = vector.broadcast %neg3A_444 : f32 to vector<16xf32>
        %neg3A_446 = arith.subf %neg3A_445, %sort3A_442 : vector<16xf32>
        %min3A_447 = arith.minimumf %scan3A_352, %neg3A_446 : vector<16xf32>
        %sort3A_448 = arith.constant dense<true> : vector<16xi1>
        %sort3A_449, %sort3A_450, %sort3A_451 = tpu.sort %min3A_447, %min3A_447 masked %sort3A_448 : (vector<16xf32>, vector<16xf32>, vector<16xi1>) -> (vector<16xi1>, vector<16xf32>, vector<16xf32>)
        %mul3A_452 = arith.constant 16 : i32
        %mul3A_453 = arith.muli %scan3A_339, %mul3A_452 : i32
        %get3A_454 = arith.constant 5 : i32
        %get3A_455 = arith.index_cast %get3A_454 : i32 to index
        %get3A_456 = arith.index_cast %mul3A_453 : i32 to index
        %get3A_457 = tpu.vector_load %arg5[%get3A_455, %get3A_456] {strides = array<i32>} : memref<8x4096xf32, #tpu.memory_space<vmem>>, vector<16xf32>,
        %abs3A_458 = math.absf %get3A_457 : vector<16xf32>
        %add3A_459 = arith.addf %scan3A_345, %abs3A_458 : vector<16xf32>
        %sort3A_460 = arith.constant dense<true> : vector<16xi1>
        %sort3A_461, %sort3A_462, %sort3A_463 = tpu.sort %abs3A_458, %abs3A_458 masked %sort3A_460 : (vector<16xf32>, vector<16xf32>, vector<16xi1>) -> (vector<16xi1>, vector<16xf32>, vector<16xf32>)
        %neg3A_464 = arith.constant 0.000000e+00 : f32
        %neg3A_465 = vector.broadcast %neg3A_464 : f32 to vector<16xf32>
        %neg3A_466 = arith.subf %neg3A_465, %sort3A_462 : vector<16xf32>
        %min3A_467 = arith.minimumf %scan3A_353, %neg3A_466 : vector<16xf32>
        %sort3A_468 = arith.constant dense<true> : vector<16xi1>
        %sort3A_469, %sort3A_470, %sort3A_471 = tpu.sort %min3A_467, %min3A_467 masked %sort3A_468 : (vector<16xf32>, vector<16xf32>, vector<16xi1>) -> (vector<16xi1>, vector<16xf32>, vector<16xf32>)
        %mul3A_472 = arith.constant 16 : i32
        %mul3A_473 = arith.muli %scan3A_339, %mul3A_472 : i32
        %get3A_474 = arith.constant 6 : i32
        %get3A_475 = arith.index_cast %get3A_474 : i32 to index
        %get3A_476 = arith.index_cast %mul3A_473 : i32 to index
        %get3A_477 = tpu.vector_load %arg5[%get3A_475, %get3A_476] {strides = array<i32>} : memref<8x4096xf32, #tpu.memory_space<vmem>>, vector<16xf32>,
        %abs3A_478 = math.absf %get3A_477 : vector<16xf32>
        %add3A_479 = arith.addf %scan3A_346, %abs3A_478 : vector<16xf32>
        %sort3A_480 = arith.constant dense<true> : vector<16xi1>
        %sort3A_481, %sort3A_482, %sort3A_483 = tpu.sort %abs3A_478, %abs3A_478 masked %sort3A_480 : (vector<16xf32>, vector<16xf32>, vector<16xi1>) -> (vector<16xi1>, vector<16xf32>, vector<16xf32>)
        %neg3A_484 = arith.constant 0.000000e+00 : f32
        %neg3A_485 = vector.broadcast %neg3A_484 : f32 to vector<16xf32>
        %neg3A_486 = arith.subf %neg3A_485, %sort3A_482 : vector<16xf32>
        %min3A_487 = arith.minimumf %scan3A_354, %neg3A_486 : vector<16xf32>
        %sort3A_488 = arith.constant dense<true> : vector<16xi1>
        %sort3A_489, %sort3A_490, %sort3A_491 = tpu.sort %min3A_487, %min3A_487 masked %sort3A_488 : (vector<16xf32>, vector<16xf32>, vector<16xi1>) -> (vector<16xi1>, vector<16xf32>, vector<16xf32>)
        %mul3A_492 = arith.constant 16 : i32
        %mul3A_493 = arith.muli %scan3A_339, %mul3A_492 : i32
        %get3A_494 = arith.constant 7 : i32
        %get3A_495 = arith.index_cast %get3A_494 : i32 to index
        %get3A_496 = arith.index_cast %mul3A_493 : i32 to index
        %get3A_497 = tpu.vector_load %arg5[%get3A_495, %get3A_496] {strides = array<i32>} : memref<8x4096xf32, #tpu.memory_space<vmem>>, vector<16xf32>,
        %abs3A_498 = math.absf %get3A_497 : vector<16xf32>
        %add3A_499 = arith.addf %scan3A_347, %abs3A_498 : vector<16xf32>
        %sort3A_500 = arith.constant dense<true> : vector<16xi1>
        %sort3A_501, %sort3A_502, %sort3A_503 = tpu.sort %abs3A_498, %abs3A_498 masked %sort3A_500 : (vector<16xf32>, vector<16xf32>, vector<16xi1>) -> (vector<16xi1>, vector<16xf32>, vector<16xf32>)
        %neg3A_504 = arith.constant 0.000000e+00 : f32
        %neg3A_505 = vector.broadcast %neg3A_504 : f32 to vector<16xf32>
        %neg3A_506 = arith.subf %neg3A_505, %sort3A_502 : vector<16xf32>
        %min3A_507 = arith.minimumf %scan3A_355, %neg3A_506 : vector<16xf32>
        %sort3A_508 = arith.constant dense<true> : vector<16xi1>
        %sort3A_509, %sort3A_510, %sort3A_511 = tpu.sort %min3A_507, %min3A_507 masked %sort3A_508 : (vector<16xf32>, vector<16xf32>, vector<16xi1>) -> (vector<16xi1>, vector<16xf32>, vector<16xf32>)
        %scan3A_512 = arith.constant 1 : i32
        %scan3A_513 = arith.addi %scan3A_339, %scan3A_512 : i32
        %mul3A_514 = arith.constant 16 : i32
        %mul3A_515 = arith.muli %scan3A_513, %mul3A_514 : i32
        %get3A_516 = arith.constant 0 : i32
        %get3A_517 = arith.index_cast %get3A_516 : i32 to index
        %get3A_518 = arith.index_cast %mul3A_515 : i32 to index
        %get3A_519 = tpu.vector_load %arg5[%get3A_517, %get3A_518] {strides = array<i32>} : memref<8x4096xf32, #tpu.memory_space<vmem>>, vector<16xf32>,
        %abs3A_520 = math.absf %get3A_519 : vector<16xf32>
        %add3A_521 = arith.addf %add3A_361, %abs3A_520 : vector<16xf32>
        %sort3A_522 = arith.constant dense<true> : vector<16xi1>
        %sort3A_523, %sort3A_524, %sort3A_525 = tpu.sort %abs3A_520, %abs3A_520 masked %sort3A_522 : (vector<16xf32>, vector<16xf32>, vector<16xi1>) -> (vector<16xi1>, vector<16xf32>, vector<16xf32>)
        %neg3A_526 = arith.constant 0.000000e+00 : f32
        %neg3A_527 = vector.broadcast %neg3A_526 : f32 to vector<16xf32>
        %neg3A_528 = arith.subf %neg3A_527, %sort3A_524 : vector<16xf32>
        %min3A_529 = arith.minimumf %sort3A_370, %neg3A_528 : vector<16xf32>
        %sort3A_530 = arith.constant dense<true> : vector<16xi1>
        %sort3A_531, %sort3A_532, %sort3A_533 = tpu.sort %min3A_529, %min3A_529 masked %sort3A_530 : (vector<16xf32>, vector<16xf32>, vector<16xi1>) -> (vector<16xi1>, vector<16xf32>, vector<16xf32>)
        %mul3A_534 = arith.constant 16 : i32
        %mul3A_535 = arith.muli %scan3A_513, %mul3A_534 : i32
        %get3A_536 = arith.constant 1 : i32
        %get3A_537 = arith.index_cast %get3A_536 : i32 to index
        %get3A_538 = arith.index_cast %mul3A_535 : i32 to index
        %get3A_539 = tpu.vector_load %arg5[%get3A_537, %get3A_538] {strides = array<i32>} : memref<8x4096xf32, #tpu.memory_space<vmem>>, vector<16xf32>,
        %abs3A_540 = math.absf %get3A_539 : vector<16xf32>
        %add3A_541 = arith.addf %add3A_379, %abs3A_540 : vector<16xf32>
        %sort3A_542 = arith.constant dense<true> : vector<16xi1>
        %sort3A_543, %sort3A_544, %sort3A_545 = tpu.sort %abs3A_540, %abs3A_540 masked %sort3A_542 : (vector<16xf32>, vector<16xf32>, vector<16xi1>) -> (vector<16xi1>, vector<16xf32>, vector<16xf32>)
        %neg3A_546 = arith.constant 0.000000e+00 : f32
        %neg3A_547 = vector.broadcast %neg3A_546 : f32 to vector<16xf32>
        %neg3A_548 = arith.subf %neg3A_547, %sort3A_544 : vector<16xf32>
        %min3A_549 = arith.minimumf %sort3A_390, %neg3A_548 : vector<16xf32>
        %sort3A_550 = arith.constant dense<true> : vector<16xi1>
        %sort3A_551, %sort3A_552, %sort3A_553 = tpu.sort %min3A_549, %min3A_549 masked %sort3A_550 : (vector<16xf32>, vector<16xf32>, vector<16xi1>) -> (vector<16xi1>, vector<16xf32>, vector<16xf32>)
        %mul3A_554 = arith.constant 16 : i32
        %mul3A_555 = arith.muli %scan3A_513, %mul3A_554 : i32
        %get3A_556 = arith.constant 2 : i32
        %get3A_557 = arith.index_cast %get3A_556 : i32 to index
        %get3A_558 = arith.index_cast %mul3A_555 : i32 to index
        %get3A_559 = tpu.vector_load %arg5[%get3A_557, %get3A_558] {strides = array<i32>} : memref<8x4096xf32, #tpu.memory_space<vmem>>, vector<16xf32>,
        %abs3A_560 = math.absf %get3A_559 : vector<16xf32>
        %add3A_561 = arith.addf %add3A_399, %abs3A_560 : vector<16xf32>
        %sort3A_562 = arith.constant dense<true> : vector<16xi1>
        %sort3A_563, %sort3A_564, %sort3A_565 = tpu.sort %abs3A_560, %abs3A_560 masked %sort3A_562 : (vector<16xf32>, vector<16xf32>, vector<16xi1>) -> (vector<16xi1>, vector<16xf32>, vector<16xf32>)
        %neg3A_566 = arith.constant 0.000000e+00 : f32
        %neg3A_567 = vector.broadcast %neg3A_566 : f32 to vector<16xf32>
        %neg3A_568 = arith.subf %neg3A_567, %sort3A_564 : vector<16xf32>
        %min3A_569 = arith.minimumf %sort3A_410, %neg3A_568 : vector<16xf32>
        %sort3A_570 = arith.constant dense<true> : vector<16xi1>
        %sort3A_571, %sort3A_572, %sort3A_573 = tpu.sort %min3A_569, %min3A_569 masked %sort3A_570 : (vector<16xf32>, vector<16xf32>, vector<16xi1>) -> (vector<16xi1>, vector<16xf32>, vector<16xf32>)
        %mul3A_574 = arith.constant 16 : i32
        %mul3A_575 = arith.muli %scan3A_513, %mul3A_574 : i32
        %get3A_576 = arith.constant 3 : i32
        %get3A_577 = arith.index_cast %get3A_576 : i32 to index
        %get3A_578 = arith.index_cast %mul3A_575 : i32 to index
        %get3A_579 = tpu.vector_load %arg5[%get3A_577, %get3A_578] {strides = array<i32>} : memref<8x4096xf32, #tpu.memory_space<vmem>>, vector<16xf32>,
        %abs3A_580 = math.absf %get3A_579 : vector<16xf32>
        %add3A_581 = arith.addf %add3A_419, %abs3A_580 : vector<16xf32>
        %sort3A_582 = arith.constant dense<true> : vector<16xi1>
        %sort3A_583, %sort3A_584, %sort3A_585 = tpu.sort %abs3A_580, %abs3A_580 masked %sort3A_582 : (vector<16xf32>, vector<16xf32>, vector<16xi1>) -> (vector<16xi1>, vector<16xf32>, vector<16xf32>)
        %neg3A_586 = arith.constant 0.000000e+00 : f32
        %neg3A_587 = vector.broadcast %neg3A_586 : f32 to vector<16xf32>
        %neg3A_588 = arith.subf %neg3A_587, %sort3A_584 : vector<16xf32>
        %min3A_589 = arith.minimumf %sort3A_430, %neg3A_588 : vector<16xf32>
        %sort3A_590 = arith.constant dense<true> : vector<16xi1>
        %sort3A_591, %sort3A_592, %sort3A_593 = tpu.sort %min3A_589, %min3A_589 masked %sort3A_590 : (vector<16xf32>, vector<16xf32>, vector<16xi1>) -> (vector<16xi1>, vector<16xf32>, vector<16xf32>)
        %mul3A_594 = arith.constant 16 : i32
        %mul3A_595 = arith.muli %scan3A_513, %mul3A_594 : i32
        %get3A_596 = arith.constant 4 : i32
        %get3A_597 = arith.index_cast %get3A_596 : i32 to index
        %get3A_598 = arith.index_cast %mul3A_595 : i32 to index
        %get3A_599 = tpu.vector_load %arg5[%get3A_597, %get3A_598] {strides = array<i32>} : memref<8x4096xf32, #tpu.memory_space<vmem>>, vector<16xf32>,
        %abs3A_600 = math.absf %get3A_599 : vector<16xf32>
        %add3A_601 = arith.addf %add3A_439, %abs3A_600 : vector<16xf32>
        %sort3A_602 = arith.constant dense<true> : vector<16xi1>
        %sort3A_603, %sort3A_604, %sort3A_605 = tpu.sort %abs3A_600, %abs3A_600 masked %sort3A_602 : (vector<16xf32>, vector<16xf32>, vector<16xi1>) -> (vector<16xi1>, vector<16xf32>, vector<16xf32>)
        %neg3A_606 = arith.constant 0.000000e+00 : f32
        %neg3A_607 = vector.broadcast %neg3A_606 : f32 to vector<16xf32>
        %neg3A_608 = arith.subf %neg3A_607, %sort3A_604 : vector<16xf32>
        %min3A_609 = arith.minimumf %sort3A_450, %neg3A_608 : vector<16xf32>
        %sort3A_610 = arith.constant dense<true> : vector<16xi1>
        %sort3A_611, %sort3A_612, %sort3A_613 = tpu.sort %min3A_609, %min3A_609 masked %sort3A_610 : (vector<16xf32>, vector<16xf32>, vector<16xi1>) -> (vector<16xi1>, vector<16xf32>, vector<16xf32>)
        %mul3A_614 = arith.constant 16 : i32
        %mul3A_615 = arith.muli %scan3A_513, %mul3A_614 : i32
        %get3A_616 = arith.constant 5 : i32
        %get3A_617 = arith.index_cast %get3A_616 : i32 to index
        %get3A_618 = arith.index_cast %mul3A_615 : i32 to index
        %get3A_619 = tpu.vector_load %arg5[%get3A_617, %get3A_618] {strides = array<i32>} : memref<8x4096xf32, #tpu.memory_space<vmem>>, vector<16xf32>,
        %abs3A_620 = math.absf %get3A_619 : vector<16xf32>
        %add3A_621 = arith.addf %add3A_459, %abs3A_620 : vector<16xf32>
        %sort3A_622 = arith.constant dense<true> : vector<16xi1>
        %sort3A_623, %sort3A_624, %sort3A_625 = tpu.sort %abs3A_620, %abs3A_620 masked %sort3A_622 : (vector<16xf32>, vector<16xf32>, vector<16xi1>) -> (vector<16xi1>, vector<16xf32>, vector<16xf32>)
        %neg3A_626 = arith.constant 0.000000e+00 : f32
        %neg3A_627 = vector.broadcast %neg3A_626 : f32 to vector<16xf32>
        %neg3A_628 = arith.subf %neg3A_627, %sort3A_624 : vector<16xf32>
        %min3A_629 = arith.minimumf %sort3A_470, %neg3A_628 : vector<16xf32>
        %sort3A_630 = arith.constant dense<true> : vector<16xi1>
        %sort3A_631, %sort3A_632, %sort3A_633 = tpu.sort %min3A_629, %min3A_629 masked %sort3A_630 : (vector<16xf32>, vector<16xf32>, vector<16xi1>) -> (vector<16xi1>, vector<16xf32>, vector<16xf32>)
        %mul3A_634 = arith.constant 16 : i32
        %mul3A_635 = arith.muli %scan3A_513, %mul3A_634 : i32
        %get3A_636 = arith.constant 6 : i32
        %get3A_637 = arith.index_cast %get3A_636 : i32 to index
        %get3A_638 = arith.index_cast %mul3A_635 : i32 to index
        %get3A_639 = tpu.vector_load %arg5[%get3A_637, %get3A_638] {strides = array<i32>} : memref<8x4096xf32, #tpu.memory_space<vmem>>, vector<16xf32>,
        %abs3A_640 = math.absf %get3A_639 : vector<16xf32>
        %add3A_641 = arith.addf %add3A_479, %abs3A_640 : vector<16xf32>
        %sort3A_642 = arith.constant dense<true> : vector<16xi1>
        %sort3A_643, %sort3A_644, %sort3A_645 = tpu.sort %abs3A_640, %abs3A_640 masked %sort3A_642 : (vector<16xf32>, vector<16xf32>, vector<16xi1>) -> (vector<16xi1>, vector<16xf32>, vector<16xf32>)
        %neg3A_646 = arith.constant 0.000000e+00 : f32
        %neg3A_647 = vector.broadcast %neg3A_646 : f32 to vector<16xf32>
        %neg3A_648 = arith.subf %neg3A_647, %sort3A_644 : vector<16xf32>
        %min3A_649 = arith.minimumf %sort3A_490, %neg3A_648 : vector<16xf32>
        %sort3A_650 = arith.constant dense<true> : vector<16xi1>
        %sort3A_651, %sort3A_652, %sort3A_653 = tpu.sort %min3A_649, %min3A_649 masked %sort3A_650 : (vector<16xf32>, vector<16xf32>, vector<16xi1>) -> (vector<16xi1>, vector<16xf32>, vector<16xf32>)
        %mul3A_654 = arith.constant 16 : i32
        %mul3A_655 = arith.muli %scan3A_513, %mul3A_654 : i32
        %get3A_656 = arith.constant 7 : i32
        %get3A_657 = arith.index_cast %get3A_656 : i32 to index
        %get3A_658 = arith.index_cast %mul3A_655 : i32 to index
        %get3A_659 = tpu.vector_load %arg5[%get3A_657, %get3A_658] {strides = array<i32>} : memref<8x4096xf32, #tpu.memory_space<vmem>>, vector<16xf32>,
        %abs3A_660 = math.absf %get3A_659 : vector<16xf32>
        %add3A_661 = arith.addf %add3A_499, %abs3A_660 : vector<16xf32>
        %sort3A_662 = arith.constant dense<true> : vector<16xi1>
        %sort3A_663, %sort3A_664, %sort3A_665 = tpu.sort %abs3A_660, %abs3A_660 masked %sort3A_662 : (vector<16xf32>, vector<16xf32>, vector<16xi1>) -> (vector<16xi1>, vector<16xf32>, vector<16xf32>)
        %neg3A_666 = arith.constant 0.000000e+00 : f32
        %neg3A_667 = vector.broadcast %neg3A_666 : f32 to vector<16xf32>
        %neg3A_668 = arith.subf %neg3A_667, %sort3A_664 : vector<16xf32>
        %min3A_669 = arith.minimumf %sort3A_510, %neg3A_668 : vector<16xf32>
        %sort3A_670 = arith.constant dense<true> : vector<16xi1>
        %sort3A_671, %sort3A_672, %sort3A_673 = tpu.sort %min3A_669, %min3A_669 masked %sort3A_670 : (vector<16xf32>, vector<16xf32>, vector<16xi1>) -> (vector<16xi1>, vector<16xf32>, vector<16xf32>)
        scf.yield %add3A_521, %add3A_541, %add3A_561, %add3A_581, %add3A_601, %add3A_621, %add3A_641, %add3A_661, %sort3A_532, %sort3A_552, %sort3A_572, %sort3A_592, %sort3A_612, %sort3A_632, %sort3A_652, %sort3A_672 : vector<16xf32>, vector<16xf32>, vector<16xf32>, vector<16xf32>, vector<16xf32>, vector<16xf32>, vector<16xf32>, vector<16xf32>, vector<16xf32>, vector<16xf32>, vector<16xf32>, vector<16xf32>, vector<16xf32>, vector<16xf32>, vector<16xf32>, vector<16xf32>
      }
      %scan3A_196 = arith.constant 256 : i32
      %iota3A_197 = tpu.iota {dimensions = array<i32: 0>} : vector<16xi32>
      %lt3A_198 = arith.constant 8 : i32
      %lt3A_199 = vector.broadcast %lt3A_198 : i32 to vector<16xi32>
      %lt3A_200 = arith.cmpi slt, %iota3A_197, %lt3A_199 : vector<16xi32>
      %select_n3A_201 = arith.select %lt3A_200, %scan3A_195#8, %broadcast_in_dim3A_190 : vector<16xi1>, vector<16xf32>
      %reduce_sum3A_202 = arith.constant true
      %reduce_sum3A_203 = vector.broadcast %reduce_sum3A_202 : i1 to vector<16xi1>
      %reduce_sum3A_204 = tpu.scan <sum>, %select_n3A_201 masked %reduce_sum3A_203 : vector<16xf32>, vector<16xi1> -> vector<16xf32>
      %reduce_sum3A_205 = vector.extract %reduce_sum3A_204[15] : f32 from vector<16xf32>
      %neg3A_206 = arith.constant 0.000000e+00 : f32
      %neg3A_207 = arith.subf %neg3A_206, %reduce_sum3A_205 : f32
      %reduce_sum3A_208 = arith.constant true
      %reduce_sum3A_209 = vector.broadcast %reduce_sum3A_208 : i1 to vector<16xi1>
      %reduce_sum3A_210 = tpu.scan <sum>, %scan3A_195#0 masked %reduce_sum3A_209 : vector<16xf32>, vector<16xi1> -> vector<16xf32>
      %reduce_sum3A_211 = vector.extract %reduce_sum3A_210[15] : f32 from vector<16xf32>
      %mul3A_212 = arith.constant 1.250000e-01 : f32
      %mul3A_213 = arith.mulf %neg3A_207, %mul3A_212 : f32
      %mul3A_214 = arith.constant 2.44140625E-4 : f32
      %mul3A_215 = arith.mulf %reduce_sum3A_211, %mul3A_214 : f32
      %sub3A_216 = arith.subf %mul3A_213, %mul3A_215 : f32
      %add3A_217 = arith.constant 0.000000e+00 : f32
      %add3A_218 = arith.addf %add3A_217, %sub3A_216 : f32
      %select_n3A_219 = arith.select %lt3A_200, %scan3A_195#9, %broadcast_in_dim3A_190 : vector<16xi1>, vector<16xf32>
      %reduce_sum3A_220 = arith.constant true
      %reduce_sum3A_221 = vector.broadcast %reduce_sum3A_220 : i1 to vector<16xi1>
      %reduce_sum3A_222 = tpu.scan <sum>, %select_n3A_219 masked %reduce_sum3A_221 : vector<16xf32>, vector<16xi1> -> vector<16xf32>
      %reduce_sum3A_223 = vector.extract %reduce_sum3A_222[15] : f32 from vector<16xf32>
      %neg3A_224 = arith.constant 0.000000e+00 : f32
      %neg3A_225 = arith.subf %neg3A_224, %reduce_sum3A_223 : f32
      %reduce_sum3A_226 = arith.constant true
      %reduce_sum3A_227 = vector.broadcast %reduce_sum3A_226 : i1 to vector<16xi1>
      %reduce_sum3A_228 = tpu.scan <sum>, %scan3A_195#1 masked %reduce_sum3A_227 : vector<16xf32>, vector<16xi1> -> vector<16xf32>
      %reduce_sum3A_229 = vector.extract %reduce_sum3A_228[15] : f32 from vector<16xf32>
      %mul3A_230 = arith.constant 1.250000e-01 : f32
      %mul3A_231 = arith.mulf %neg3A_225, %mul3A_230 : f32
      %mul3A_232 = arith.constant 2.44140625E-4 : f32
      %mul3A_233 = arith.mulf %reduce_sum3A_229, %mul3A_232 : f32
      %sub3A_234 = arith.subf %mul3A_231, %mul3A_233 : f32
      %add3A_235 = arith.addf %add3A_218, %sub3A_234 : f32
      %select_n3A_236 = arith.select %lt3A_200, %scan3A_195#10, %broadcast_in_dim3A_190 : vector<16xi1>, vector<16xf32>
      %reduce_sum3A_237 = arith.constant true
      %reduce_sum3A_238 = vector.broadcast %reduce_sum3A_237 : i1 to vector<16xi1>
      %reduce_sum3A_239 = tpu.scan <sum>, %select_n3A_236 masked %reduce_sum3A_238 : vector<16xf32>, vector<16xi1> -> vector<16xf32>
      %reduce_sum3A_240 = vector.extract %reduce_sum3A_239[15] : f32 from vector<16xf32>
      %neg3A_241 = arith.constant 0.000000e+00 : f32
      %neg3A_242 = arith.subf %neg3A_241, %reduce_sum3A_240 : f32
      %reduce_sum3A_243 = arith.constant true
      %reduce_sum3A_244 = vector.broadcast %reduce_sum3A_243 : i1 to vector<16xi1>
      %reduce_sum3A_245 = tpu.scan <sum>, %scan3A_195#2 masked %reduce_sum3A_244 : vector<16xf32>, vector<16xi1> -> vector<16xf32>
      %reduce_sum3A_246 = vector.extract %reduce_sum3A_245[15] : f32 from vector<16xf32>
      %mul3A_247 = arith.constant 1.250000e-01 : f32
      %mul3A_248 = arith.mulf %neg3A_242, %mul3A_247 : f32
      %mul3A_249 = arith.constant 2.44140625E-4 : f32
      %mul3A_250 = arith.mulf %reduce_sum3A_246, %mul3A_249 : f32
      %sub3A_251 = arith.subf %mul3A_248, %mul3A_250 : f32
      %add3A_252 = arith.addf %add3A_235, %sub3A_251 : f32
      %select_n3A_253 = arith.select %lt3A_200, %scan3A_195#11, %broadcast_in_dim3A_190 : vector<16xi1>, vector<16xf32>
      %reduce_sum3A_254 = arith.constant true
      %reduce_sum3A_255 = vector.broadcast %reduce_sum3A_254 : i1 to vector<16xi1>
      %reduce_sum3A_256 = tpu.scan <sum>, %select_n3A_253 masked %reduce_sum3A_255 : vector<16xf32>, vector<16xi1> -> vector<16xf32>
      %reduce_sum3A_257 = vector.extract %reduce_sum3A_256[15] : f32 from vector<16xf32>
      %neg3A_258 = arith.constant 0.000000e+00 : f32
      %neg3A_259 = arith.subf %neg3A_258, %reduce_sum3A_257 : f32
      %reduce_sum3A_260 = arith.constant true
      %reduce_sum3A_261 = vector.broadcast %reduce_sum3A_260 : i1 to vector<16xi1>
      %reduce_sum3A_262 = tpu.scan <sum>, %scan3A_195#3 masked %reduce_sum3A_261 : vector<16xf32>, vector<16xi1> -> vector<16xf32>
      %reduce_sum3A_263 = vector.extract %reduce_sum3A_262[15] : f32 from vector<16xf32>
      %mul3A_264 = arith.constant 1.250000e-01 : f32
      %mul3A_265 = arith.mulf %neg3A_259, %mul3A_264 : f32
      %mul3A_266 = arith.constant 2.44140625E-4 : f32
      %mul3A_267 = arith.mulf %reduce_sum3A_263, %mul3A_266 : f32
      %sub3A_268 = arith.subf %mul3A_265, %mul3A_267 : f32
      %add3A_269 = arith.addf %add3A_252, %sub3A_268 : f32
      %select_n3A_270 = arith.select %lt3A_200, %scan3A_195#12, %broadcast_in_dim3A_190 : vector<16xi1>, vector<16xf32>
      %reduce_sum3A_271 = arith.constant true
      %reduce_sum3A_272 = vector.broadcast %reduce_sum3A_271 : i1 to vector<16xi1>
      %reduce_sum3A_273 = tpu.scan <sum>, %select_n3A_270 masked %reduce_sum3A_272 : vector<16xf32>, vector<16xi1> -> vector<16xf32>
      %reduce_sum3A_274 = vector.extract %reduce_sum3A_273[15] : f32 from vector<16xf32>
      %neg3A_275 = arith.constant 0.000000e+00 : f32
      %neg3A_276 = arith.subf %neg3A_275, %reduce_sum3A_274 : f32
      %reduce_sum3A_277 = arith.constant true
      %reduce_sum3A_278 = vector.broadcast %reduce_sum3A_277 : i1 to vector<16xi1>
      %reduce_sum3A_279 = tpu.scan <sum>, %scan3A_195#4 masked %reduce_sum3A_278 : vector<16xf32>, vector<16xi1> -> vector<16xf32>
      %reduce_sum3A_280 = vector.extract %reduce_sum3A_279[15] : f32 from vector<16xf32>
      %mul3A_281 = arith.constant 1.250000e-01 : f32
      %mul3A_282 = arith.mulf %neg3A_276, %mul3A_281 : f32
      %mul3A_283 = arith.constant 2.44140625E-4 : f32
      %mul3A_284 = arith.mulf %reduce_sum3A_280, %mul3A_283 : f32
      %sub3A_285 = arith.subf %mul3A_282, %mul3A_284 : f32
      %add3A_286 = arith.addf %add3A_269, %sub3A_285 : f32
      %select_n3A_287 = arith.select %lt3A_200, %scan3A_195#13, %broadcast_in_dim3A_190 : vector<16xi1>, vector<16xf32>
      %reduce_sum3A_288 = arith.constant true
      %reduce_sum3A_289 = vector.broadcast %reduce_sum3A_288 : i1 to vector<16xi1>
      %reduce_sum3A_290 = tpu.scan <sum>, %select_n3A_287 masked %reduce_sum3A_289 : vector<16xf32>, vector<16xi1> -> vector<16xf32>
      %reduce_sum3A_291 = vector.extract %reduce_sum3A_290[15] : f32 from vector<16xf32>
      %neg3A_292 = arith.constant 0.000000e+00 : f32
      %neg3A_293 = arith.subf %neg3A_292, %reduce_sum3A_291 : f32
      %reduce_sum3A_294 = arith.constant true
      %reduce_sum3A_295 = vector.broadcast %reduce_sum3A_294 : i1 to vector<16xi1>
      %reduce_sum3A_296 = tpu.scan <sum>, %scan3A_195#5 masked %reduce_sum3A_295 : vector<16xf32>, vector<16xi1> -> vector<16xf32>
      %reduce_sum3A_297 = vector.extract %reduce_sum3A_296[15] : f32 from vector<16xf32>
      %mul3A_298 = arith.constant 1.250000e-01 : f32
      %mul3A_299 = arith.mulf %neg3A_293, %mul3A_298 : f32
      %mul3A_300 = arith.constant 2.44140625E-4 : f32
      %mul3A_301 = arith.mulf %reduce_sum3A_297, %mul3A_300 : f32
      %sub3A_302 = arith.subf %mul3A_299, %mul3A_301 : f32
      %add3A_303 = arith.addf %add3A_286, %sub3A_302 : f32
      %select_n3A_304 = arith.select %lt3A_200, %scan3A_195#14, %broadcast_in_dim3A_190 : vector<16xi1>, vector<16xf32>
      %reduce_sum3A_305 = arith.constant true
      %reduce_sum3A_306 = vector.broadcast %reduce_sum3A_305 : i1 to vector<16xi1>
      %reduce_sum3A_307 = tpu.scan <sum>, %select_n3A_304 masked %reduce_sum3A_306 : vector<16xf32>, vector<16xi1> -> vector<16xf32>
      %reduce_sum3A_308 = vector.extract %reduce_sum3A_307[15] : f32 from vector<16xf32>
      %neg3A_309 = arith.constant 0.000000e+00 : f32
      %neg3A_310 = arith.subf %neg3A_309, %reduce_sum3A_308 : f32
      %reduce_sum3A_311 = arith.constant true
      %reduce_sum3A_312 = vector.broadcast %reduce_sum3A_311 : i1 to vector<16xi1>
      %reduce_sum3A_313 = tpu.scan <sum>, %scan3A_195#6 masked %reduce_sum3A_312 : vector<16xf32>, vector<16xi1> -> vector<16xf32>
      %reduce_sum3A_314 = vector.extract %reduce_sum3A_313[15] : f32 from vector<16xf32>
      %mul3A_315 = arith.constant 1.250000e-01 : f32
      %mul3A_316 = arith.mulf %neg3A_310, %mul3A_315 : f32
      %mul3A_317 = arith.constant 2.44140625E-4 : f32
      %mul3A_318 = arith.mulf %reduce_sum3A_314, %mul3A_317 : f32
      %sub3A_319 = arith.subf %mul3A_316, %mul3A_318 : f32
      %add3A_320 = arith.addf %add3A_303, %sub3A_319 : f32
      %select_n3A_321 = arith.select %lt3A_200, %scan3A_195#15, %broadcast_in_dim3A_190 : vector<16xi1>, vector<16xf32>
      %reduce_sum3A_322 = arith.constant true
      %reduce_sum3A_323 = vector.broadcast %reduce_sum3A_322 : i1 to vector<16xi1>
      %reduce_sum3A_324 = tpu.scan <sum>, %select_n3A_321 masked %reduce_sum3A_323 : vector<16xf32>, vector<16xi1> -> vector<16xf32>
      %reduce_sum3A_325 = vector.extract %reduce_sum3A_324[15] : f32 from vector<16xf32>
      %neg3A_326 = arith.constant 0.000000e+00 : f32
      %neg3A_327 = arith.subf %neg3A_326, %reduce_sum3A_325 : f32
      %reduce_sum3A_328 = arith.constant true
      %reduce_sum3A_329 = vector.broadcast %reduce_sum3A_328 : i1 to vector<16xi1>
      %reduce_sum3A_330 = tpu.scan <sum>, %scan3A_195#7 masked %reduce_sum3A_329 : vector<16xf32>, vector<16xi1> -> vector<16xf32>
      %reduce_sum3A_331 = vector.extract %reduce_sum3A_330[15] : f32 from vector<16xf32>
      %mul3A_332 = arith.constant 1.250000e-01 : f32
      %mul3A_333 = arith.mulf %neg3A_327, %mul3A_332 : f32
      %mul3A_334 = arith.constant 2.44140625E-4 : f32
      %mul3A_335 = arith.mulf %reduce_sum3A_331, %mul3A_334 : f32
      %sub3A_336 = arith.subf %mul3A_333, %mul3A_335 : f32
      %add3A_337 = arith.addf %add3A_320, %sub3A_336 : f32
      %add3A_338 = arith.addf %add3A_179, %add3A_337 : f32
      scf.yield %add3A_338 : f32
    }
    %scan3A_13 = arith.constant 8 : i32
    %broadcast_in_dim3A = arith.constant 0.000000e+00 : f32
    %broadcast_in_dim3A_14 = vector.broadcast %broadcast_in_dim3A : f32 to vector<16xf32>
    %add3A_15 = vector.broadcast %scan3A_12 : f32 to vector<16xf32>
    %add3A_16 = arith.addf %broadcast_in_dim3A_14, %add3A_15 : vector<16xf32>
    %swap3A = arith.constant 0 : index
    %swap3A_17 = tpu.vector_load %arg6[%swap3A] {strides = array<i32>} : memref<16xf32, #tpu.memory_space<vmem>>, vector<16xf32>,
    tpu.vector_store %arg6[%swap3A], %add3A_16 {strides = array<i32>} : memref<16xf32, #tpu.memory_space<vmem>>, vector<16xf32>,
    "tpu.region"() ({
      %run_scoped3A = tpu.sem_alloc : memref<!tpu.dma_semaphore, #tpu.memory_space<semaphore_mem>>
      %dma_start3A_18 = arith.constant 0 : i32
      %dma_start3A_19 = tpu.memref_slice %arg3[%add3A, %dma_start3A_18] : memref<32x16xf32, #tpu.memory_space<hbm>> -> memref<1x16xf32, #tpu.memory_space<hbm>>
      %dma_start3A_20 = tpu.memref_squeeze %dma_start3A_19 : memref<1x16xf32, #tpu.memory_space<hbm>> -> memref<16xf32, #tpu.memory_space<hbm>>
      %dma_start3A_21 = arith.constant 0 : i32
      %dma_start3A_22 = tpu.memref_slice %arg3[%add3A, %dma_start3A_21] : memref<32x16xf32, #tpu.memory_space<hbm>> -> memref<1x16xf32, #tpu.memory_space<hbm>>
      %dma_start3A_23 = tpu.memref_squeeze %dma_start3A_22 : memref<1x16xf32, #tpu.memory_space<hbm>> -> memref<16xf32, #tpu.memory_space<hbm>>
      tpu.enqueue_dma source(%arg6 : memref<16xf32, #tpu.memory_space<vmem>>) target(%dma_start3A_23 : memref<16xf32, #tpu.memory_space<hbm>>) target_semaphore(%run_scoped3A : memref<!tpu.dma_semaphore, #tpu.memory_space<semaphore_mem>>)
      %dma_wait3A = arith.constant 0 : i32
      %dma_wait3A_24 = tpu.memref_slice %arg3[%add3A, %dma_wait3A] : memref<32x16xf32, #tpu.memory_space<hbm>> -> memref<1x16xf32, #tpu.memory_space<hbm>>
      %dma_wait3A_25 = tpu.memref_squeeze %dma_wait3A_24 : memref<1x16xf32, #tpu.memory_space<hbm>> -> memref<16xf32, #tpu.memory_space<hbm>>
      %dma_wait3A_26 = arith.constant 0 : i32
      %dma_wait3A_27 = tpu.memref_slice %arg3[%add3A, %dma_wait3A_26] : memref<32x16xf32, #tpu.memory_space<hbm>> -> memref<1x16xf32, #tpu.memory_space<hbm>>
      %dma_wait3A_28 = tpu.memref_squeeze %dma_wait3A_27 : memref<1x16xf32, #tpu.memory_space<hbm>> -> memref<16xf32, #tpu.memory_space<hbm>>
      tpu.wait_dma2 semaphore(%run_scoped3A : memref<!tpu.dma_semaphore, #tpu.memory_space<semaphore_mem>>) src(%arg6 : memref<16xf32, #tpu.memory_space<vmem>>) dst(%dma_wait3A_28 : memref<16xf32, #tpu.memory_space<hbm>>)
      tpu.yield
    }) : () -> ()
    return
  }
}

</mosaic_0001>

<sc_bundles>
// kernel: _run.3.cloned.1.call-start
scs
__scs_entry_jumppad:
0x0: {  	(pc) =	sbr.rel $0x88, $3  }
0x1: {  	(tag) =	ssettag $0x0;
	lr =	simm.s32 $0x1  }
0x2: {  	[smem:$0x3FA0] =	sst lr;
	_ =	strace $0xD0000000  }
0x3: {  	_ = 	snop  }
0x4: {  	_ = 	snop  }
0x5: {  	_ = 	snop  }
0x6: {  	_ = 	snop  }
0x7: {  	_ = 	snop  }
__scs_overlays_trampoline_lowered:
0x8: {  	[smem:$0x3FAF] =	sst s0  }
0x9: {  	[smem:$0x3FB0] =	sst s1  }
0xa: {  	[smem:$0x3FB1] =	sst s2  }
0xb: {  	[smem:$0x3FB2] =	sst s3  }
0xc: {  	[smem:$0x3FB3] =	sst s4  }
0xd: {  	[smem:$0x3FB4] =	sst s5  }
0xe: {  	[smem:$0x3FB5] =	sst s6  }
0xf: {  	[smem:$0x3FB6] =	sst s7  }
0x10: {  	[smem:$0x3FB7] =	sst s8  }
0x11: {  	[smem:$0x3FB8] =	sst s9;
	s0 =	simm.s32 @!p0 $0x0  }
0x12: {  	s1 =	sld [smem:$0x3F9E];
	s0 =	simm.s32 @p0 $0x1  }
0x13: {  	[smem:$0x3FB9] =	sst s0;
	s0 =	simm.s32 @!p1 $0x0  }
0x14: {  	s2 =	sld [smem:$0x3F9D];
	s0 =	simm.s32 @p1 $0x1  }
0x15: {  	[smem:$0x3FBA] =	sst s0;
	s0 =	simm.s32 @!p2 $0x0  }
0x16: {  	s3 =	sld [smem:$0x3FDB];
	s0 =	simm.s32 @p2 $0x1  }
0x17: {  	s4 =	simm.s32 $0x1BF5;
	[smem:$0x3FBC] =	sst s0  }
0x18: {  	s0 =	sld [smem:$0x3F9F];
	_ =	swait.ge [sflag:s4], $0x0  }
0x19: {  	s7 =	sld [smem:$0x3FA0]  }
0x1a: {  	s8 =	sadd.s32 $0xFFFFE003, lr  }
0x1b: {  	s9 =	sadd.s32 $0xFFFFFEF7, lr;
	s5 =	simm.s32 $0xFFFFFFFF;
	p2 =	slt.u32 s8, $0xFFFFF086  }
0x1c: {  	p1 =	slt.u32 s9, $0xF7A;
	s5 =	simm.s32 @!p2 $0x0  }
0x1d: {  	s5 =	simm.s32 @p1 $0x1;
	p0 =	seq.s32 s7, s2  }
0x1e: {  	s7 =	smul.u32 @!p0 $0xF7A, s2;
	p2 =	seq.s32 @!p0 s5, $0x0  }
0x1f: {  	s9 =	smul.u32 $0xF7A, s1;
	s8 =	simm.s32 @!p0 $0x1BF5;
	p2 =	por !p2, p0  }
0x20: {  	[sflag:s8] =	ssyncset.s32 @!p0 $0xFFFFF086;
	s6 =	sadd.s32 @!p0 s3, s7;
	s7 =	simm.s32 @!p0 $0x108  }
0x21: {  	s3 =	sadd.s32 s3, s9;
	s6 =	sadd.s32 @!p0 $0x88, s6;
	s7 =	simm.s32 @p2 $0x1082  }
0x22: {  	[simem:s7], [sflag:s8] =	dma.local @!p0 [hbm:s6], $0xF7A  }
0x23: {  	s9 =	sor.u32 $0xD0000000, s2;
	s6 =	simm.s32 $0x108;
	_ =	swait.ge @!p0 [sflag:s8], $0x0  }
0x24: {  	s3 =	sadd.s32 $0x88, s3;
	s6 =	simm.s32 @!p1 $0x1082;
	[sflag:s4] =	ssyncset.s32 $0xFFFFF086  }
0x25: {  	[simem:s6], [sflag:s4] =	dma.local [hbm:s3], $0xF7A  }
0x26: {  	[smem:$0x3FA0] =	sst s1;
	(tag) =	ssettag s2;
	_ =	strace s9  }
0x27: {  	s1 =	sld [smem:$0x3FB0]  }
0x28: {  	s2 =	sld [smem:$0x3FB1]  }
0x29: {  	s4 =	sld [smem:$0x3FB3]  }
0x2a: {  	p0 =	seq.s32 s5, $0x0;
	s5 =	sld [smem:$0x3FB4]  }
0x2b: {  	s6 =	sld [smem:$0x3FB5]  }
0x2c: {  	s7 =	sld [smem:$0x3FB6]  }
0x2d: {  	s3 =	simm.s32 $0x108;
	s8 =	sld [smem:$0x3FB7]  }
0x2e: {  	s3 =	simm.s32 @!p0 $0x1082;
	s9 =	sld [smem:$0x3FB8]  }
0x2f: {  	lr =	sadd.s32 s0, s3;
	s0 =	sld [smem:$0x3FAF]  }
0x30: {  	s3 =	sld [smem:$0x3FB2]  }
0x31: {  	[smem:$0x3FBB] =	sst s10  }
0x32: {  	s10 =	sld [smem:$0x3FB9];
	_ =	sdelay $0x3  }
0x33: {  	p0 =	seq.s32 s10, $0x1;
	s10 =	sld [smem:$0x3FBB];
	_ =	sdelay $0x3  }
0x34: {  	[smem:$0x3FBB] =	sst s10  }
0x35: {  	s10 =	sld [smem:$0x3FBA];
	_ =	sdelay $0x3  }
0x36: {  	p1 =	seq.s32 s10, $0x1;
	s10 =	sld [smem:$0x3FBB];
	_ =	sdelay $0x3  }
0x37: {  	[smem:$0x3FBB] =	sst s10  }
0x38: {  	s10 =	sld [smem:$0x3FBC]  }
0x39: {  	_ = 	snop;
	(pc) =	sbr.ind lr, $3  }
0x3a: {  	_ = 	snop  }
0x3b: {  	_ = 	snop  }
0x3c: {  	p2 =	seq.s32 s10, $0x1;
	s10 =	sld [smem:$0x3FBB]  }
0x3d: {  	_ =	shalt  }
0x3e: {  	_ =	shalt  }
0x3f: {  	_ =	shalt  }
0x40: {  	_ =	shalt  }
0x41: {  	_ =	shalt  }
0x42: {  	_ =	shalt  }
0x43: {  	_ =	shalt  }
0x44: {  	_ =	shalt  }
0x45: {  	_ =	shalt  }
0x46: {  	_ =	shalt  }
0x47: {  	_ =	shalt  }
0x48: {  	_ =	shalt  }
0x49: {  	_ =	shalt  }
0x4a: {  	_ =	shalt  }
0x4b: {  	_ =	shalt  }
0x4c: {  	_ =	shalt  }
0x4d: {  	_ =	shalt  }
0x4e: {  	_ =	shalt  }
0x4f: {  	_ =	shalt  }
0x50: {  	_ =	shalt  }
0x51: {  	_ =	shalt  }
0x52: {  	_ =	shalt  }
0x53: {  	_ =	shalt  }
0x54: {  	_ =	shalt  }
0x55: {  	_ =	shalt  }
0x56: {  	_ =	shalt  }
0x57: {  	_ =	shalt  }
0x58: {  	_ =	shalt  }
0x59: {  	_ =	shalt  }
0x5a: {  	_ =	shalt  }
0x5b: {  	_ =	shalt  }
0x5c: {  	_ =	shalt  }
0x5d: {  	_ =	shalt  }
0x5e: {  	_ =	shalt  }
0x5f: {  	_ =	shalt  }
0x60: {  	_ =	shalt  }
0x61: {  	_ =	shalt  }
0x62: {  	_ =	shalt  }
0x63: {  	_ =	shalt  }
0x64: {  	_ =	shalt  }
0x65: {  	_ =	shalt  }
0x66: {  	_ =	shalt  }
0x67: {  	_ =	shalt  }
0x68: {  	_ =	shalt  }
0x69: {  	_ =	shalt  }
0x6a: {  	_ =	shalt  }
0x6b: {  	_ =	shalt  }
0x6c: {  	_ =	shalt  }
0x6d: {  	_ =	shalt  }
0x6e: {  	_ =	shalt  }
0x6f: {  	_ =	shalt  }
0x70: {  	_ =	shalt  }
0x71: {  	_ =	shalt  }
0x72: {  	_ =	shalt  }
0x73: {  	_ =	shalt  }
0x74: {  	_ =	shalt  }
0x75: {  	_ =	shalt  }
0x76: {  	_ =	shalt  }
0x77: {  	_ =	shalt  }
0x78: {  	_ =	shalt  }
0x79: {  	_ =	shalt  }
0x7a: {  	_ =	shalt  }
0x7b: {  	_ =	shalt  }
0x7c: {  	_ =	shalt  }
0x7d: {  	_ =	shalt  }
0x7e: {  	_ =	shalt  }
0x7f: {  	_ =	shalt  }
0x80: {  	_ =	shalt  }
0x81: {  	_ =	shalt  }
0x82: {  	_ =	shalt  }
0x83: {  	_ =	shalt  }
0x84: {  	_ =	shalt  }
0x85: {  	_ =	shalt  }
0x86: {  	_ =	shalt  }
0x87: {  	_ =	shalt  }
.Lfunc_end0:
.L_simem_size_0:
called_computation.1_lowered:
.L_overlay_start_0:
0x88: {  	s2 =	sld [smem:$0x3FD9]  }
0x89: {  	s3 =	sld [smem:$0x3FFE];
	_ =	sdelay $0x1  }
0x8a: {  	s1 =	srdreg.scid  }
0x8b: {  	s0 =	sand.u32 $0x1, s1  }
0x8c: {  	s16 =	sshll.u32 s0, $0xA;
	s2 =	sadd.s32 s3, s2  }
0x8d: {  	s2 =	sadd.s32 s2, s16  }
0x8e: {  	[smem:$0x3FC7] =	sst s2  }
0x8f: {  	_ = 	snop  }
0x90: {  	(tm) =	ssettm $0x1  }
0x91: {  	s17 =	sld [smem:$0x3FFB];
	_ =	sdelay $0x3  }
0x92: {  	_ =	strace s17  }
0x93: {  	s2 =	sld [smem:$0x3FFC];
	_ =	sdelay $0x3  }
0x94: {  	_ =	strace s2  }
0x95: {  	s2 =	sld [smem:$0x3FFD];
	_ =	sdelay $0x3  }
0x96: {  	_ =	strace s2  }
0x97: {  	_ =	strace $0x8FFFFFFF  }
0x98: {  	s18 =	sld [smem:$0x3FDB];
	_ =	sdelay $0x1  }
0x99: {  	s19 =	simm.s32 $_scs_section_size  }
0x9a: {  	s4 =	simm.s32 $_size__tile_overlayer_lowered;
	s5 =	simm.s32 $_tile_overlayer_lowered  }
0x9b: {  	s22 =	simm.s32 $0x1BFF;
	s21 =	sshll.u32 s5, $0x1;
	s2 =	sadd.s32 s19, s18  }
0x9c: {  	s6 =	simm.s32 $0x0;
	s20 =	sshll.u32 s4, $0x1;
	s4 =	sadd.s32 s21, s2  }
0x9d: {  	[timem:s6], [sflag:s22] =	dma.local [hbm:s4], s20  }
0x9e: {  	_ =	swait.ge [sflag:s22], s20  }
0x9f: {  	s3 =	ssub.s32 $0x0, s20;
	[sflag:s22] =	ssyncset.done $0x0  }
0xa0: {  	[sflag:s22] =	ssyncadd.s32 s3;
	_ =	sdelay $0x1  }
0xa1: {  	s23 =	simm.s32 $0x1B8B  }
0xa2: {  	_ =	swait.ge [sflag:s23], $0x1  }
0xa3: {  	[sflag:s23] =	ssyncset.done $0x0  }
0xa4: {  	s25 =	simm.s32 $0x1B8E;
	s24 =	sld [smem:$0x3FFE];
	[sflag:s23] =	ssyncadd.s32 $0xFFFFFFFF  }
0xa5: {  	s26 =	simm.s32 $execute0_lowered;
	[smem:$0x3FD2] =	sst s25  }
0xa6: {  	s4 =	sshll.u32 s26, $0x1;
	_ =	strace $0x80000049;
	[dreg:$0x1] =	wrdreg $0xFFFFFFFF  }
0xa7: {  	s28 =	simm.s32 $_size_execute0_lowered;
	s2 =	sadd.s32 s2, s4;
	[dreg:$0x0] =	wrdreg $0x0  }
0xa8: {  	s4 =	sshll.u32 s28, $0x1;
	[dreg:$0x2] =	wrdreg s2  }
0xa9: {  	[dreg:$0x3] =	wrdreg s4  }
0xaa: {  	[dreg:$0x4] =	wrdreg $0xC0  }
0xab: {  	_ =	task [dreg:s6], $0x5FFFF  }
0xac: {  	[dreg:$0x1] =	wrdreg $0xFFFFFFFF  }
0xad: {  	[dreg:$0x0] =	wrdreg $0x60  }
0xae: {  	[dreg:$0x2] =	wrdreg s24  }
0xaf: {  	[dreg:$0x3] =	wrdreg $0x9  }
0xb0: {  	_ =	task.clear_ibuf [dreg:s6], $0x4FFFF;
	_ =	strace $0x90000049  }
0xb1: {  	s29 =	simm.s32 $0x9;
	_ =	strace $0x8000004B  }
0xb2: {  	_ =	swait.ge [sflag:s29], $0x1  }
0xb3: {  	[sflag:s29] =	ssyncadd.s32 $0xFFFFFFFF  }
0xb4: {  	_ =	strace $0x9000004B  }
0xb5: {  	_ =	sfence  }
0xb6: {  	s30 =	sld [smem:$0x0];
	_ =	sdelay $0x2  }
0xb7: {  	s31 =	sshll.u32 s1, $0xD;
	s1 =	sshrl.u32 s1, $0x2  }
0xb8: {  	s3 =	sand.u32 $0x4000, s31;
	s1 =	sadd.s32 s1, s30  }
0xb9: {  	s0 =	sor.u32 s3, s0;
	s1 =	sshll.u32 s1, $0x11  }
0xba: {  	s0 =	sor.u32 s1, s0  }
0xbb: {  	s0 =	sadd.s32 $0x8F2B, s0  }
0xbc: {  	[sflag:s0] =	ssyncadd.remote.s32 $0x1  }
0xbd: {  	_ =	sfence.sel $0xFFFF  }
0xbe: {  	[dreg:$0x0] =	wrdreg $0xFFFFFFFF;
	(pc) =	sbr.abs _section_cstart, $3  }
0xbf: {  	[dreg:$0x1] =	wrdreg $0xFFFFFFFF  }
0xc0: {  	_ =	task.clear_ibuf [dreg:s6], $0x2FFFF;
	_ =	strace $0x9FFFFFFF  }
0xc1: {  	(tm) =	ssettm $0x7FFFFFFF  }
tec
execute0_lowered:
.L_overlay_start_1:
0x0: {  	(tag) =	ssettag $0x1  }
0x1: {  	s0 =	rddreg [dreg:$0x0];
	s12 =	simm.s32 $0x0;
	s1 =	srdreg.scid  }
0x2: {  	s2 =	stileid.u32;
	s9 =	simm.s32 $0x1;
	s10 =	simm.s32 $0x8000  }
0x3: {  	s11 =	simm.s32 $0x2;
	s13 =	simm.s32 $0x3;
	s14 =	simm.s32 $0x0  }
0x4: {  	[smem:$0x7FF] =	sst s12;
	s1 =	sand.u32 $0x1, s1;
	s3 =	sshll.u32 s2, $0x1  }
0x5: {  	_ =	strace $0x8000004A;
	s4 =	sor.u32 s1, s3;
	s1 =	ssub.s32 $0x2, s1  }
0x6: {  	s3 =	sadd.s32 $0x400, s0;
	s5 =	sshll.u32 s4, $0x4;
	s30 =	sshrl.u32 s1, $0x1  }
0x7: {  	s6 =	sshll.u32 s4, $0x10;
	s4 =	sshll.u32 s4, $0x7;
	s0 =	sadd.s32 s5, s0  }
0x8: {  	s1 =	ssub.s32 s1, s30;
	s31 =	sadd.s32 s3, s6;
	s6 =	sor.u32 $0x10, s4  }
0x9: {  	vm0 =	vmmov $0xff;
	[dreg:$0x2] =	wrdreg s31;
	s7 =	sadd.s32 $0x200400, s0;
	s8 =	smax.u32 s1, $0x1  }
.LBB2_1:
0xa: {  	s0 =	rddreg [dreg:$0x2];
	s16 =	simm.f32 $0.0e+00;
	s15 =	simm.s32 $0x0  }
0xb: {  	[tilespmem:s12], [sflag:$0x1] =	stream.linear.gather [hbm4b:s0+s12], $0x8000, $0x38;
	[tilespmem:$0x10080] =	vst v63  }
.LBB2_2:
0xc: {  	s17 =	sshll.u32 s15, $0x4  }
0xd: {  	s0 =	sadd.s32 s17, s4  }
0xe: {  	_ =	swait.ge [sflag:s9], $0x8000;
	s1 =	simm.s32 $0x0;
	s0 =	sshll.u32 s0, $0x9  }
0xf: {  	[sflag:s9] =	ssyncset.done $0x0;
	s20 =	sand.u32 $0x60, s1;
	s0 =	sadd.s32 s3, s0  }
0x10: {  	s12 =	sand.u32 $0x7C00, s1;
	[sflag:s9] =	ssyncadd.s32 $0xFFFF8000;
	s0 =	sadd.s32 $0x1000, s0  }
0x11: {  	[tilespmem:s10], [sflag:$0x2] =	stream.linear.gather [hbm4b:s0+s1], $0x8000, $0x38;
	[tilespmem:$0x10080] =	vst v63  }
0x12: {  	s1 =	sand.u32 $0x3, s1;
	s0 =	sor.u32 s20, s12  }
0x13: {  	s1 =	sshll.u32 s1, $0x5;
	v0 =	vld [tilespmem:s0+$0x280]  }
0x14: {  	v1 =	vld [tilespmem:s0+$0x80];
	s1 =	sadd.s32 $0x0, s1  }
0x15: {  	v3 =	vld [tilespmem:s0+$0x110];
	s21 =	sor.u32 $0x380, s1  }
0x16: {  	v4 =	vld [tilespmem:s21+$0x0]  }
0x17: {  	s22 =	sor.u32 $0x300, s1  }
0x18: {  	v5 =	vld [tilespmem:s22+$0x0];
	v7 =	vand.u32 $0x7FFFFFFF, v0  }
0x19: {  	v0 =	vld [tilespmem:s0+$0x100];
	v2 =	vand.u32 $0x7FFFFFFF, v1;
	(xrf1) =	vsort.ascd.msk.f32 $0xffff, v7, v7  }
0x1a: {  	v3 =	vand.u32 $0x7FFFFFFF, v3;
	(xrf1) =	vsort.ascd.msk.f32 $0xffff, v2, v2  }
0x1b: {  	v1 =	vld [tilespmem:s0+$0x180];
	v4 =	vand.u32 $0x7FFFFFFF, v4;
	(xrf1) =	vsort.ascd.msk.f32 $0xffff, v3, v3  }
0x1c: {  	(xrf1) =	vsort.ascd.msk.f32 $0xffff, v4, v4  }
0x1d: {  	v5 =	vand.u32 $0x7FFFFFFF, v5  }
0x1e: {  	v6 =	vld [tilespmem:s0+$0x200];
	(xrf1) =	vsort.ascd.msk.f32 $0xffff, v5, v5;
	v9 =	vand.u32 $0x7FFFFFFF, v0  }
0x1f: {  	s1 =	sadd.s32 $0x10, s1;
	(xrf1) =	vsort.ascd.msk.f32 $0xffff, v9, v9  }
0x20: {  	s23 =	sor.u32 $0x380, s1;
	v10 =	vand.u32 $0x7FFFFFFF, v1  }
0x21: {  	v0 =	vld [tilespmem:s23+$0x0];
	(xrf1) =	vsort.ascd.msk.f32 $0xffff, v10, v10  }
0x22: {  	v1 =	vld [tilespmem:s0+$0x0]  }
0x23: {  	v6 =	vand.u32 $0x7FFFFFFF, v6  }
0x24: {  	s1 =	sor.u32 $0x300, s1;
	(xrf1) =	vsort.ascd.msk.f32 $0xffff, v6, v6  }
0x25: {  	v8 =	vld [tilespmem:s1+$0x0]  }
0x26: {  	v11 =	vld [tilespmem:s0+$0x90];
	v12 =	vand.u32 $0x7FFFFFFF, v0  }
0x27: {  	v0 =	vld [tilespmem:s0+$0x190];
	v14 =	vand.u32 $0x7FFFFFFF, v1;
	(xrf1) =	vsort.ascd.msk.f32 $0xffff, v12, v12;
	v13, _, _ =	vpop (xrf1)  }
0x28: {  	(xrf1) =	vsort.ascd.msk.f32 $0xffff, v14, v14;
	v1, _, _ =	vpop (xrf1)  }
0x29: {  	v15 =	vld [tilespmem:s0+$0x290];
	v16, _, _ =	vpop (xrf1)  }
0x2a: {  	v17 =	vld [tilespmem:s0+$0x210];
	v18 =	vand.u32 $0x7FFFFFFF, v8;
	v8, _, _ =	vpop (xrf1)  }
0x2b: {  	v11 =	vand.u32 $0x7FFFFFFF, v11;
	(xrf1) =	vsort.ascd.msk.f32 $0xffff, v18, v18;
	v19 =	vsub.f32 $0.0e+00, v8  }
0x2c: {  	(xrf1) =	vsort.ascd.msk.f32 $0xffff, v11, v11;
	v21 =	vand.u32 $0x7FFFFFFF, v0;
	v8 =	vimm.f32 $0.0e+00;
	v20, _, _ =	vpop (xrf1)  }
0x2d: {  	(xrf1) =	vsort.ascd.msk.f32 $0xffff, v21, v21;
	v1 =	vsub.f32 $0.0e+00, v1;
	v0, _, _ =	vpop (xrf1);
	v19 =	vmin.f32 v8, v19  }
0x2e: {  	s24 =	simm.s32 $0x100;
	s25 =	simm.s32 $0x20;
	v23 =	vld [tilespmem:s0+$0x10];
	v22 =	vsub.f32 $0.0e+00, v0;
	v0 =	vand.u32 $0x7FFFFFFF, v15;
	(xrf1) =	vsort.ascd.msk.f32 $0xffff, v19, v19  }
0x2f: {  	s1 =	sand.u32 $0x60, s25;
	s0 =	sand.u32 $0x7C00, s24;
	v1 =	vmin.f32 v8, v1;
	v15 =	vand.u32 $0x7FFFFFFF, v17;
	v17, _, _ =	vpop (xrf1);
	(xrf1) =	vsort.ascd.msk.f32 $0xffff, v0, v0  }
0x30: {  	s26 =	simm.s32 $0x1;
	s19 =	sor.u32 s1, s0;
	v13 =	vsub.f32 $0.0e+00, v13;
	v17 =	vsub.f32 $0.0e+00, v17;
	v19 =	vmin.f32 v8, v22;
	(xrf1) =	vsort.ascd.msk.f32 $0xffff, v15, v15  }
0x31: {  	s28 =	sand.u32 $0x3, s26;
	v45 =	vld [tilespmem:s19+$0x280];
	(xrf1) =	vsort.ascd.msk.f32 $0xffff, v19, v19  }
0x32: {  	s0 =	sshll.u32 s28, $0x5;
	v13 =	vmin.f32 v8, v13;
	v17 =	vmin.f32 v8, v17;
	v19 =	vld [tilespmem:s19+$0x80];
	(xrf1) =	vsort.ascd.msk.f32 $0xffff, v1, v1;
	v1, _, _ =	vpop (xrf1)  }
0x33: {  	v23 =	vand.u32 $0x7FFFFFFF, v23;
	s0 =	sadd.s32 $0x100, s0;
	v24 =	vld [tilespmem:s19+$0x110];
	v1 =	vsub.f32 $0.0e+00, v1;
	(xrf1) =	vsort.ascd.msk.f32 $0xffff, v17, v17  }
0x34: {  	s29 =	sor.u32 $0x380, s0;
	(xrf1) =	vsort.ascd.msk.f32 $0xffff, v23, v23  }
0x35: {  	s30 =	sor.u32 $0x300, s0;
	v4 =	vadd.f32 v4, v8;
	v17 =	vld [tilespmem:s29+$0x0];
	v25 =	vmin.f32 v8, v1;
	(xrf1) =	vsort.ascd.msk.f32 $0xffff, v13, v13;
	v13, _, _ =	vpop (xrf1)  }
0x36: {  	v26 =	vld [tilespmem:s30+$0x0];
	v9 =	vadd.f32 v9, v8;
	v1 =	vand.u32 $0x7FFFFFFF, v45;
	v46, _, _ =	vpop (xrf1);
	(xrf1) =	vsort.ascd.msk.f32 $0xffff, v25, v25  }
0x37: {  	v4 =	vadd.f32 v12, v4;
	v19 =	vand.u32 $0x7FFFFFFF, v19;
	(xrf1) =	vsort.ascd.msk.f32 $0xffff, v1, v1;
	v22 =	vsub.f32 $0.0e+00, v46  }
0x38: {  	v12 =	vand.u32 $0x7FFFFFFF, v24;
	v9 =	vadd.f32 v3, v9;
	v3 =	vsub.f32 $0.0e+00, v20;
	(xrf1) =	vsort.ascd.msk.f32 $0xffff, v19, v19  }
0x39: {  	v47 =	vld [tilespmem:s19+$0x100];
	v48, _, _ =	vpop (xrf1);
	(xrf1) =	vsort.ascd.msk.f32 $0xffff, v12, v12;
	v22 =	vmin.f32 v8, v22  }
0x3a: {  	v5 =	vadd.f32 v5, v8;
	v20 =	vld [tilespmem:s19+$0x180];
	v3 =	vmin.f32 v8, v3;
	v17 =	vand.u32 $0x7FFFFFFF, v17;
	v27, _, _ =	vpop (xrf1);
	(xrf1) =	vsort.ascd.msk.f32 $0xffff, v22, v22  }
0x3b: {  	v49 =	vand.u32 $0x7FFFFFFF, v26;
	v6 =	vadd.f32 v6, v8;
	v13 =	vsub.f32 $0.0e+00, v13;
	v50, _, _ =	vpop (xrf1);
	(xrf1) =	vsort.ascd.msk.f32 $0xffff, v17, v17  }
0x3c: {  	v5 =	vadd.f32 v18, v5;
	(xrf1) =	vsort.ascd.msk.f32 $0xffff, v49, v49;
	v18, _, _ =	vpop (xrf1)  }
0x3d: {  	v15 =	vadd.f32 v15, v6;
	v6 =	vmin.f32 v18, v13;
	(xrf1) =	vsort.ascd.msk.f32 $0xffff, v3, v3;
	v3, _, _ =	vpop (xrf1)  }
0x3e: {  	s0 =	sadd.s32 $0x10, s0;
	v16 =	vsub.f32 $0.0e+00, v16;
	v10 =	vadd.f32 v10, v8;
	v13 =	vld [tilespmem:s19+$0x200];
	v18 =	vand.u32 $0x7FFFFFFF, v47;
	v51, _, _ =	vpop (xrf1);
	(xrf1) =	vsort.ascd.msk.f32 $0xffff, v6, v6  }
0x3f: {  	s31 =	sor.u32 $0x380, s0;
	v2 =	vadd.f32 v2, v8;
	v20 =	vand.u32 $0x7FFFFFFF, v20;
	v6 =	vsub.f32 $0.0e+00, v27;
	(xrf1) =	vsort.ascd.msk.f32 $0xffff, v18, v18;
	v52, _, _ =	vpop (xrf1)  }
0x40: {  	v21 =	vadd.f32 v21, v10;
	v10 =	vld [tilespmem:s31+$0x0];
	v26 =	vsub.f32 $0.0e+00, v50;
	(xrf1) =	vsort.ascd.msk.f32 $0xffff, v20, v20;
	v16 =	vmin.f32 v52, v16;
	v53, _, _ =	vpop (xrf1)  }
0x41: {  	v14 =	vadd.f32 v14, v8;
	v6 =	vmin.f32 v53, v6;
	v54, _, _ =	vpop (xrf1);
	(xrf1) =	vsort.ascd.msk.f32 $0xffff, v16, v16  }
0x42: {  	s0 =	sor.u32 $0x300, s0;
	v11 =	vadd.f32 v11, v2;
	v55 =	vsub.f32 $0.0e+00, v3;
	v16 =	vld [tilespmem:s19+$0x0];
	v2 =	vmin.f32 v54, v26;
	v56, _, _ =	vpop (xrf1);
	(xrf1) =	vsort.ascd.msk.f32 $0xffff, v6, v6  }
0x43: {  	v3 =	vadd.f32 v23, v14;
	v57 =	vsub.f32 $0.0e+00, v51;
	v6 =	vld [tilespmem:s0+$0x0];
	v14 =	vand.u32 $0x7FFFFFFF, v13;
	v13, _, _ =	vpop (xrf1);
	(xrf1) =	vsort.ascd.msk.f32 $0xffff, v2, v2  }
0x44: {  	v2 =	vadd.f32 v17, v4;
	(xrf1) =	vsort.ascd.msk.f32 $0xffff, v14, v14;
	v17 =	vmin.f32 v13, v55;
	v58, _, _ =	vpop (xrf1)  }
0x45: {  	v28 =	vand.u32 $0x7FFFFFFF, v10;
	v4 =	vld [tilespmem:s19+$0x210];
	v13, _, _ =	vpop (xrf1);
	v10 =	vmin.f32 v58, v57;
	(xrf1) =	vsort.ascd.msk.f32 $0xffff, v17, v17  }
0x46: {  	v59 =	vld [tilespmem:s19+$0x90];
	v17 =	vadd.f32 v18, v9;
	v60, _, _ =	vpop (xrf1);
	(xrf1) =	vsort.ascd.msk.f32 $0xffff, v10, v10  }
0x47: {  	v5 =	vadd.f32 v49, v5;
	v18 =	vld [tilespmem:s19+$0x190];
	v10 =	vand.u32 $0x7FFFFFFF, v16;
	v16 =	vsub.f32 $0.0e+00, v56;
	v9, _, _ =	vpop (xrf1);
	(xrf1) =	vsort.ascd.msk.f32 $0xffff, v28, v28  }
0x48: {  	v61 =	vand.u32 $0x7FFFFFFF, v6;
	v6 =	vadd.f32 v12, v17;
	v12 =	vadd.f32 v14, v15;
	(xrf1) =	vsort.ascd.msk.f32 $0xffff, v10, v10;
	v15, _, _ =	vpop (xrf1)  }
0x49: {  	v25 =	vsub.f32 $0.0e+00, v48;
	v19 =	vadd.f32 v19, v11;
	(xrf1) =	vsort.ascd.msk.f32 $0xffff, v61, v61;
	v15 =	vmin.f32 v15, v16  }
0x4a: {  	v62 =	vld [tilespmem:s19+$0x290];
	v14 =	vand.u32 $0x7FFFFFFF, v4;
	v4 =	vadd.f32 v61, v5;
	v17, _, _ =	vpop (xrf1);
	(xrf1) =	vsort.ascd.msk.f32 $0xffff, v15, v15;
	v15 =	vadd.f32 v20, v21  }
0x4b: {  	v5 =	vadd.f32 v14, v12;
	v12 =	vadd.f32 v7, v8;
	v8 =	vand.u32 $0x7FFFFFFF, v59;
	v7, _, _ =	vpop (xrf1)  }
0x4c: {  	v17 =	vsub.f32 $0.0e+00, v17;
	v18 =	vand.u32 $0x7FFFFFFF, v18;
	(xrf1) =	vsort.ascd.msk.f32 $0xffff, v8, v8;
	v20, _, _ =	vpop (xrf1)  }
0x4d: {  	v2 =	vadd.f32 v28, v2;
	v16 =	vsub.f32 $0.0e+00, v60;
	(xrf1) =	vsort.ascd.msk.f32 $0xffff, v18, v18;
	v20 =	vmin.f32 v20, v25;
	v63, _, _ =	vpop (xrf1)  }
0x4e: {  	s18 =	simm.s32 $0x2;
	v11 =	vsub.f32 $0.0e+00, v7;
	v7 =	vadd.f32 v18, v15;
	v21 =	vmin.f32 v63, v17;
	v15, _, _ =	vpop (xrf1);
	(xrf1) =	vsort.ascd.msk.f32 $0xffff, v20, v20  }
0x4f: {  	s20 =	simm.s32 $0x2;
	s21 =	simm.s32 $0x40;
	v8 =	vadd.f32 v8, v19;
	v17 =	vld [tilespmem:s19+$0x10];
	s19 =	simm.s32 $0x200;
	v18 =	vsub.f32 $0.0e+00, v15;
	v15 =	vand.u32 $0x7FFFFFFF, v62;
	v19, _, _ =	vpop (xrf1);
	(xrf1) =	vsort.ascd.msk.f32 $0xffff, v21, v21  }
.LBB2_3:
0x50: {  	s0 =	sand.u32 $0x3, s20;
	s1 =	sand.u32 $0x60, s21;
	s12 =	sand.u32 $0x7C00, s19;
	(xrf1) =	vsort.ascd.msk.f32 $0xffff, v15, v15;
	v12 =	vadd.f32 v0, v12;
	v20, _, _ =	vpop (xrf1);
	v0 =	vmov v15  }
0x51: {  	s18 =	sadd.s32 $0x2, s18;
	s0 =	sshll.u32 s0, $0x5;
	s22 =	sor.u32 s1, s12;
	v20 =	vmin.f32 v20, v18;
	v18 =	vsub.f32 $0.0e+00, v19;
	(xrf1) =	vsort.ascd.msk.f32 $0xffff, v14, v14;
	v14, _, _ =	vpop (xrf1)  }
0x52: {  	p0 =	slt.u32 s18, $0xFE;
	s0 =	sadd.s32 s0, s19;
	v19 =	vld [tilespmem:s22+$0x280];
	v21 =	vmin.f32 v14, v16;
	(xrf1) =	vsort.ascd.msk.f32 $0xffff, v20, v20;
	v15, _, _ =	vpop (xrf1)  }
0x53: {  	v3 =	vadd.f32 v10, v3;
	v20 =	vsub.f32 $0.0e+00, v13;
	v16 =	vld [tilespmem:s22+$0x80];
	s1 =	sor.u32 $0x300, s0;
	s12 =	sor.u32 $0x380, s0;
	s0 =	sadd.s32 $0x10, s0;
	v18 =	vmin.f32 v15, v18;
	(xrf1) =	vsort.ascd.msk.f32 $0xffff, v21, v21;
	v14, _, _ =	vpop (xrf1)  }
0x54: {  	v15 =	vld [tilespmem:s22+$0x110];
	s23 =	sor.u32 $0x380, s0;
	v14 =	vsub.f32 $0.0e+00, v14;
	v17 =	vand.u32 $0x7FFFFFFF, v17;
	(xrf1) =	vsort.ascd.msk.f32 $0xffff, v18, v18;
	v10, _, _ =	vpop (xrf1)  }
0x55: {  	s0 =	sor.u32 $0x300, s0;
	v18 =	vld [tilespmem:s12+$0x0];
	v21 =	vmin.f32 v10, v20;
	v3 =	vadd.f32 v17, v3;
	(xrf1) =	vsort.ascd.msk.f32 $0xffff, v17, v17;
	v13, _, _ =	vpop (xrf1)  }
0x56: {  	v17 =	vld [tilespmem:s1+$0x0];
	v13 =	vmin.f32 v13, v14;
	(xrf1) =	vsort.ascd.msk.f32 $0xffff, v21, v21;
	v10, _, _ =	vpop (xrf1)  }
0x57: {  	v14 =	vld [tilespmem:s22+$0x100];
	v19 =	vand.u32 $0x7FFFFFFF, v19;
	v20, _, _ =	vpop (xrf1);
	(xrf1) =	vsort.ascd.msk.f32 $0xffff, v13, v13  }
0x58: {  	v21 =	vand.u32 $0x7FFFFFFF, v16;
	v13 =	vld [tilespmem:s23+$0x0];
	(xrf1) =	vsort.ascd.msk.f32 $0xffff, v19, v19;
	v28 =	vsub.f32 $0.0e+00, v20;
	v20, _, _ =	vpop (xrf1)  }
0x59: {  	v22 =	vld [tilespmem:s22+$0x0];
	v15 =	vand.u32 $0x7FFFFFFF, v15;
	(xrf1) =	vsort.ascd.msk.f32 $0xffff, v21, v21;
	v20 =	vsub.f32 $0.0e+00, v20;
	v23, _, _ =	vpop (xrf1)  }
0x5a: {  	v10 =	vsub.f32 $0.0e+00, v10;
	v24 =	vld [tilespmem:s22+$0x180];
	v27 =	vand.u32 $0x7FFFFFFF, v18;
	(xrf1) =	vsort.ascd.msk.f32 $0xffff, v15, v15;
	v26 =	vmin.f32 v23, v28;
	v23, _, _ =	vpop (xrf1)  }
0x5b: {  	v17 =	vand.u32 $0x7FFFFFFF, v17;
	v25 =	vld [tilespmem:s0+$0x0];
	(xrf1) =	vsort.ascd.msk.f32 $0xffff, v26, v26;
	v16, _, _ =	vpop (xrf1)  }
0x5c: {  	v2 =	vadd.f32 v27, v2;
	v26 =	vld [tilespmem:s22+$0x200];
	(xrf1) =	vsort.ascd.msk.f32 $0xffff, v27, v27;
	v18, _, _ =	vpop (xrf1)  }
0x5d: {  	v27 =	vld [tilespmem:s22+$0x90];
	v28 =	vand.u32 $0x7FFFFFFF, v13;
	(xrf1) =	vsort.ascd.msk.f32 $0xffff, v17, v17;
	v18 =	vmin.f32 v18, v11;
	v13, _, _ =	vpop (xrf1)  }
0x5e: {  	v30 =	vand.u32 $0x7FFFFFFF, v14;
	v29 =	vld [tilespmem:s22+$0x290];
	v2 =	vadd.f32 v28, v2;
	v10 =	vmin.f32 v13, v10;
	(xrf1) =	vsort.ascd.msk.f32 $0xffff, v18, v18;
	v11, _, _ =	vpop (xrf1)  }
0x5f: {  	v9 =	vsub.f32 $0.0e+00, v9;
	v6 =	vadd.f32 v30, v6;
	v18 =	vand.u32 $0x7FFFFFFF, v24;
	v13 =	vld [tilespmem:s22+$0x210];
	v24, _, _ =	vpop (xrf1);
	(xrf1) =	vsort.ascd.msk.f32 $0xffff, v10, v10  }
0x60: {  	v4 =	vadd.f32 v17, v4;
	v10 =	vsub.f32 $0.0e+00, v23;
	v17 =	vand.u32 $0x7FFFFFFF, v25;
	(xrf1) =	vsort.ascd.msk.f32 $0xffff, v30, v30;
	v14, _, _ =	vpop (xrf1)  }
0x61: {  	v23 =	vand.u32 $0x7FFFFFFF, v26;
	(xrf1) =	vsort.ascd.msk.f32 $0xffff, v18, v18;
	v9 =	vmin.f32 v14, v9;
	v14 =	vsub.f32 $0.0e+00, v16;
	v16, _, _ =	vpop (xrf1)  }
0x62: {  	v6 =	vadd.f32 v15, v6;
	v10 =	vmin.f32 v16, v10;
	v15, _, _ =	vpop (xrf1);
	(xrf1) =	vsort.ascd.msk.f32 $0xffff, v9, v9  }
0x63: {  	v5 =	vadd.f32 v23, v5;
	v16 =	vsub.f32 $0.0e+00, v11;
	v9 =	vmin.f32 v15, v14;
	v15, _, _ =	vpop (xrf1);
	(xrf1) =	vsort.ascd.msk.f32 $0xffff, v10, v10  }
0x64: {  	v4 =	vadd.f32 v17, v4;
	v10 =	vsub.f32 $0.0e+00, v24;
	v14 =	vand.u32 $0x7FFFFFFF, v13;
	v13, _, _ =	vpop (xrf1);
	(xrf1) =	vsort.ascd.msk.f32 $0xffff, v9, v9  }
0x65: {  	v5 =	vadd.f32 v14, v5;
	(xrf1) =	vsort.ascd.msk.f32 $0xffff, v23, v23;
	v16 =	vmin.f32 v13, v16;
	v11, _, _ =	vpop (xrf1)  }
0x66: {  	v13, _, _ =	vpop (xrf1);
	v10 =	vmin.f32 v11, v10;
	(xrf1) =	vsort.ascd.msk.f32 $0xffff, v16, v16  }
0x67: {  	v23 =	vld [tilespmem:s22+$0x190];
	v9, _, _ =	vpop (xrf1);
	(xrf1) =	vsort.ascd.msk.f32 $0xffff, v10, v10  }
0x68: {  	v11 =	vsub.f32 $0.0e+00, v15;
	v10 =	vand.u32 $0x7FFFFFFF, v22;
	v16 =	vsub.f32 $0.0e+00, v9;
	v9, _, _ =	vpop (xrf1);
	(xrf1) =	vsort.ascd.msk.f32 $0xffff, v28, v28  }
0x69: {  	(xrf1) =	vsort.ascd.msk.f32 $0xffff, v10, v10;
	v15, _, _ =	vpop (xrf1)  }
0x6a: {  	v12 =	vadd.f32 v1, v12;
	v1 =	vmov v19;
	v22, _, _ =	vpop (xrf1);
	(xrf1) =	vsort.ascd.msk.f32 $0xffff, v17, v17;
	v11 =	vmin.f32 v15, v11  }
.Ltmp0:
0x6b: {  	v8 =	vadd.f32 v21, v8;
	v7 =	vadd.f32 v18, v7;
	v15 =	vand.u32 $0x7FFFFFFF, v27;
	v17, _, _ =	vpop (xrf1);
	(xrf1) =	vsort.ascd.msk.f32 $0xffff, v11, v11;
	(pc) =	sbr.rel @p0 .LBB2_3-.Ltmp0, $4  }
0x6c: {  	v11 =	vsub.f32 $0.0e+00, v17;
	v17 =	vsub.f32 $0.0e+00, v22;
	v18 =	vand.u32 $0x7FFFFFFF, v23;
	(xrf1) =	vsort.ascd.msk.f32 $0xffff, v15, v15;
	v19, _, _ =	vpop (xrf1)  }
0x6d: {  	v7 =	vadd.f32 v18, v7;
	(xrf1) =	vsort.ascd.msk.f32 $0xffff, v18, v18;
	v18 =	vmin.f32 v19, v20;
	v19, _, _ =	vpop (xrf1)  }
0x6e: {  	v8 =	vadd.f32 v15, v8;
	v20 =	vmin.f32 v19, v17;
	v15, _, _ =	vpop (xrf1);
	(xrf1) =	vsort.ascd.msk.f32 $0xffff, v18, v18  }
0x6f: {  	s20 =	sadd.s32 $0x1, s20;
	s21 =	sadd.s32 $0x20, s21;
	s19 =	sadd.s32 $0x100, s19;
	v18 =	vsub.f32 $0.0e+00, v15;
	v17 =	vld [tilespmem:s22+$0x10];
	v15 =	vand.u32 $0x7FFFFFFF, v29;
	v19, _, _ =	vpop (xrf1);
	(xrf1) =	vsort.ascd.msk.f32 $0xffff, v20, v20  }
0x70: {  	v20, _, _ =	vpop (xrf1)  }
0x71: {  	v21, _, _ =	vpop (xrf1)  }
0x72: {  	v19 =	vsub.f32 $0.0e+00, v19;
	v18 =	vmin.f32 v20, v18;
	v22, _, _ =	vpop (xrf1)  }
0x73: {  	(xrf1) =	vsort.ascd.msk.f32 $0xffff, v15, v15;
	v16 =	vmin.f32 v21, v16;
	v23, _, _ =	vpop (xrf1)  }
0x74: {  	v13 =	vsub.f32 $0.0e+00, v13;
	(xrf1) =	vsort.ascd.msk.f32 $0xffff, v14, v14;
	v19 =	vmin.f32 v22, v19;
	v14, _, _ =	vpop (xrf1)  }
0x75: {  	(xrf1) =	vsort.ascd.msk.f32 $0xffff, v18, v18;
	v18, _, _ =	vpop (xrf1)  }
0x76: {  	(xrf1) =	vsort.ascd.msk.f32 $0xffff, v16, v16;
	v13 =	vmin.f32 v14, v13;
	v16, _, _ =	vpop (xrf1)  }
0x77: {  	v17 =	vand.u32 $0x7FFFFFFF, v17;
	(xrf1) =	vsort.ascd.msk.f32 $0xffff, v19, v19;
	v19, _, _ =	vpop (xrf1)  }
0x78: {  	(xrf1) =	vsort.ascd.msk.f32 $0xffff, v17, v17;
	v14 =	vsub.f32 $0.0e+00, v19;
	v19, _, _ =	vpop (xrf1)  }
0x79: {  	v20 =	vsub.f32 $0.0e+00, v23;
	(xrf1) =	vsort.ascd.msk.f32 $0xffff, v13, v13;
	v13, _, _ =	vpop (xrf1)  }
0x7a: {  	v13 =	vmin.f32 v13, v14  }
0x7b: {  	v18 =	vmin.f32 v18, v20  }
0x7c: {  	(xrf1) =	vsort.ascd.msk.f32 $0xffff, v18, v18  }
0x7d: {  	(xrf1) =	vsort.ascd.msk.f32 $0xffff, v13, v13;
	v13, _, _ =	vpop (xrf1)  }
0x7e: {  	v14, _, _ =	vpop (xrf1)  }
0x7f: {  	v18, _, _ =	vpop (xrf1)  }
0x80: {  	v16 =	vsub.f32 $0.0e+00, v16;
	v20, _, _ =	vpop (xrf1)  }
0x81: {  	v40, _, _ =	vpop (xrf1)  }
0x82: {  	v16 =	vmin.f32 v20, v16;
	v41, _, _ =	vpop (xrf1)  }
0x83: {  	v9 =	vsub.f32 $0.0e+00, v9;
	v11 =	vmin.f32 v18, v11;
	v18, _, _ =	vpop (xrf1)  }
0x84: {  	(xrf1) =	vsort.ascd.msk.f32 $0xffff, v11, v11;
	v11 =	vsub.f32 $0.0e+00, v13;
	v13, _, _ =	vpop (xrf1)  }
0x85: {  	v14 =	vsub.f32 $0.0e+00, v14;
	(xrf1) =	vsort.ascd.msk.f32 $0xffff, v16, v16;
	v9 =	vmin.f32 v18, v9;
	v16, _, _ =	vpop (xrf1)  }
0x86: {  	v11 =	vmin.f32 v13, v11;
	(xrf1) =	vsort.ascd.msk.f32 $0xffff, v9, v9;
	v9 =	vsub.f32 $0.0e+00, v40;
	v13, _, _ =	vpop (xrf1)  }
0x87: {  	v14 =	vmin.f32 v16, v14;
	v16, _, _ =	vpop (xrf1)  }
0x88: {  	v9 =	vmin.f32 v16, v9  }
0x89: {  	(xrf1) =	vsort.ascd.msk.f32 $0xffff, v11, v11;
	v11 =	vsub.f32 $0.0e+00, v41  }
0x8a: {  	(xrf1) =	vsort.ascd.msk.f32 $0xffff, v14, v14;
	v13 =	vsub.f32 $0.0e+00, v13;
	v14, _, _ =	vpop (xrf1)  }
0x8b: {  	(xrf1) =	vsort.ascd.msk.f32 $0xffff, v9, v9;
	v11 =	vmin.f32 v14, v11;
	v9, _, _ =	vpop (xrf1)  }
0x8c: {  	(xrf1) =	vsort.ascd.msk.f32 $0xffff, v11, v11;
	v9 =	vmin.f32 v9, v13  }
0x8d: {  	(xrf1) =	vsort.ascd.msk.f32 $0xffff, v9, v9;
	_ =	sdelay $0x5  }
0x8e: {  	v11 =	vsub.f32 $0.0e+00, v19  }
0x8f: {  	v9, _, _ =	vpop (xrf1)  }
0x90: {  	v13, _, _ =	vpop (xrf1);
	v9 =	vmin.f32 v9, v11  }
0x91: {  	v14, _, _ =	vpop (xrf1)  }
0x92: {  	v11, _, _ =	vpop (xrf1)  }
0x93: {  	(xrf1) =	vsort.ascd.msk.f32 $0xffff, v9, v9;
	v9, _, _ =	vpop (xrf1)  }
0x94: {  	v16, _, _ =	vpop (xrf1)  }
0x95: {  	v3 =	vadd.f32 v10, v3;
	v10, _, _ =	vpop (xrf1)  }
0x96: {  	v18, _, _ =	vpop (xrf1)  }
0x97: {  	v3 =	vadd.f32 v17, v3;
	v17 =	vnsel vm0, $0x0, v18  }
0x98: {  	(xrf2) =	vadd.scan.msk.f32 $0xffff, v17  }
0x99: {  	(xrf2) =	vadd.scan.msk.f32 $0xffff, v3;
	v3 =	vnsel vm0, $0x0, v11  }
0x9a: {  	(xrf2) =	vadd.scan.msk.f32 $0xffff, v3  }
0x9b: {  	v3 =	vnsel vm0, $0x0, v14;
	(xrf2) =	vadd.scan.msk.f32 $0xffff, v8  }
0x9c: {  	v0 =	vadd.f32 v0, v12;
	(xrf2) =	vadd.scan.msk.f32 $0xffff, v3  }
0x9d: {  	v3 =	vnsel vm0, $0x0, v9;
	(xrf2) =	vadd.scan.msk.f32 $0xffff, v6  }
0x9e: {  	v0 =	vadd.f32 v1, v0;
	v1 =	vnsel vm0, $0x0, v10;
	(xrf2) =	vadd.scan.msk.f32 $0xffff, v3  }
0x9f: {  	(xrf2) =	vadd.scan.msk.f32 $0xffff, v7  }
0xa0: {  	v3 =	vnsel vm0, $0x0, v16;
	(xrf2) =	vadd.scan.msk.f32 $0xffff, v1  }
0xa1: {  	v0 =	vadd.f32 v15, v0;
	v1, _, _ =	vpop (xrf1);
	(xrf2) =	vadd.scan.msk.f32 $0xffff, v5  }
0xa2: {  	v5, _, _ =	vpop (xrf2);
	(xrf2) =	vadd.scan.msk.f32 $0xffff, v3  }
0xa3: {  	v3, _, _ =	vpop (xrf2);
	(xrf2) =	vadd.scan.msk.f32 $0xffff, v0;
	v0 =	vnsel vm0, $0x0, v1  }
0xa4: {  	(v2sf) =	vpush v5, $0xF  }
0xa5: {  	(v2sf) =	vpush v3, $0xF;
	v1, _, _ =	vpop (xrf2);
	(xrf2) =	vadd.scan.msk.f32 $0xffff, v0  }
0xa6: {  	(v2sf) =	vpush v1, $0xF;
	v1 =	vnsel vm0, $0x0, v13;
	v0, _, _ =	vpop (xrf2);
	(xrf2) =	vadd.scan.msk.f32 $0xffff, v4  }
0xa7: {  	(v2sf) =	vpush v0, $0xF;
	v0, _, _ =	vpop (xrf2);
	(xrf2) =	vadd.scan.msk.f32 $0xffff, v1  }
0xa8: {  	(v2sf) =	vpush v0, $0xF;
	v0, _, _ =	vpop (xrf2);
	(xrf2) =	vadd.scan.msk.f32 $0xffff, v2  }
0xa9: {  	v1, _, _ =	vpop (xrf2);
	(v2sf) =	vpush v0, $0xF  }
0xaa: {  	v0, _, _ =	vpop (xrf2);
	(v2sf) =	vpush v1, $0xF  }
0xab: {  	v1, _, _ =	vpop (xrf2);
	(v2sf) =	vpush v0, $0xF  }
0xac: {  	v0, _, _ =	vpop (xrf2);
	(v2sf) =	vpush v1, $0xF  }
0xad: {  	v1, _, _ =	vpop (xrf2);
	(v2sf) =	vpush v0, $0xF  }
0xae: {  	v0, _, _ =	vpop (xrf2);
	(v2sf) =	vpush v1, $0xF  }
0xaf: {  	v1, _, _ =	vpop (xrf2);
	(v2sf) =	vpush v0, $0xF  }
0xb0: {  	v0, _, _ =	vpop (xrf2);
	(v2sf) =	vpush v1, $0xF  }
0xb1: {  	v1, _, _ =	vpop (xrf2);
	(v2sf) =	vpush v0, $0xF  }
0xb2: {  	(v2sf) =	vpush v1, $0xF;
	v0, _, _ =	vpop (xrf2)  }
0xb3: {  	s23 =	spop (v2sf);
	(v2sf) =	vpush v0, $0xF  }
0xb4: {  	s1 =	spop (v2sf)  }
0xb5: {  	s12 =	spop (v2sf)  }
0xb6: {  	s0 =	spop (v2sf)  }
0xb7: {  	s31 =	spop (v2sf)  }
0xb8: {  	s29 =	spop (v2sf)  }
0xb9: {  	s30 =	spop (v2sf)  }
0xba: {  	s26 =	spop (v2sf)  }
0xbb: {  	s28 =	spop (v2sf)  }
0xbc: {  	s24 =	spop (v2sf)  }
0xbd: {  	s25 =	spop (v2sf)  }
0xbe: {  	s21 =	spop (v2sf)  }
0xbf: {  	s22 =	spop (v2sf)  }
0xc0: {  	s19 =	spop (v2sf)  }
0xc1: {  	s20 =	spop (v2sf)  }
0xc2: {  	p0 =	seq.s32 s15, $0x7;
	s18 =	spop (v2sf)  }
0xc3: {  	s17 =	sadd.s32 @!p0 s17, s6;
	_ =	swait.ge [sflag:s11], $0x8000  }
0xc4: {  	s17 =	sshll.u32 @!p0 s17, $0x9;
	[sflag:s11] =	ssyncset.done $0x0  }
0xc5: {  	s2 =	simm.s32 @!p0 $0x0;
	s17 =	sadd.s32 @!p0 s3, s17;
	[sflag:s11] =	ssyncadd.s32 $0xFFFF8000  }
0xc6: {  	[tilespmem:s2], [sflag:$0x1] =	stream.linear.gather @!p0 [hbm4b:s17+s2], $0x8000, $0x38;
	[tilespmem:$0x10080] =	vst v63  }
0xc7: {  	s2 =	simm.s32 $0x0  }
0xc8: {  	s17 =	sand.u32 $0x60, s2;
	s5 =	sand.u32 $0x7C00, s2  }
0xc9: {  	s2 =	sand.u32 $0x3, s2;
	s5 =	sor.u32 s17, s5  }
0xca: {  	s2 =	sshll.u32 s2, $0x5;
	v0 =	vld [tilespmem:s5+$0x8280]  }
0xcb: {  	s2 =	sadd.s32 $0x0, s2;
	v1 =	vld [tilespmem:s5+$0x8080]  }
0xcc: {  	v3 =	vld [tilespmem:s5+$0x8110];
	s17 =	sor.u32 $0x380, s2  }
0xcd: {  	v4 =	vld [tilespmem:s17+$0x8000]  }
0xce: {  	s17 =	sor.u32 $0x300, s2  }
0xcf: {  	v5 =	vld [tilespmem:s17+$0x8000];
	v7 =	vand.u32 $0x7FFFFFFF, v0  }
0xd0: {  	v0 =	vld [tilespmem:s5+$0x8100];
	v2 =	vand.u32 $0x7FFFFFFF, v1;
	(xrf1) =	vsort.ascd.msk.f32 $0xffff, v7, v7  }
0xd1: {  	v6 =	vand.u32 $0x7FFFFFFF, v3;
	(xrf1) =	vsort.ascd.msk.f32 $0xffff, v2, v2  }
0xd2: {  	v1 =	vld [tilespmem:s5+$0x8180];
	v9 =	vand.u32 $0x7FFFFFFF, v4;
	(xrf1) =	vsort.ascd.msk.f32 $0xffff, v6, v6  }
0xd3: {  	(xrf1) =	vsort.ascd.msk.f32 $0xffff, v9, v9  }
0xd4: {  	v10 =	vand.u32 $0x7FFFFFFF, v5  }
0xd5: {  	v3 =	vld [tilespmem:s5+$0x8200];
	(xrf1) =	vsort.ascd.msk.f32 $0xffff, v10, v10;
	v11 =	vand.u32 $0x7FFFFFFF, v0  }
0xd6: {  	s2 =	sadd.s32 $0x10, s2;
	(xrf1) =	vsort.ascd.msk.f32 $0xffff, v11, v11  }
0xd7: {  	s17 =	sor.u32 $0x380, s2;
	v5 =	vand.u32 $0x7FFFFFFF, v1  }
0xd8: {  	v0 =	vld [tilespmem:s17+$0x8000];
	(xrf1) =	vsort.ascd.msk.f32 $0xffff, v5, v5  }
0xd9: {  	v1 =	vld [tilespmem:s5+$0x8000]  }
0xda: {  	v13 =	vand.u32 $0x7FFFFFFF, v3  }
0xdb: {  	s2 =	sor.u32 $0x300, s2;
	(xrf1) =	vsort.ascd.msk.f32 $0xffff, v13, v13  }
0xdc: {  	v4 =	vld [tilespmem:s2+$0x8000]  }
0xdd: {  	v8 =	vld [tilespmem:s5+$0x8090];
	v14 =	vand.u32 $0x7FFFFFFF, v0  }
0xde: {  	v0 =	vld [tilespmem:s5+$0x8190];
	v3 =	vand.u32 $0x7FFFFFFF, v1;
	(xrf1) =	vsort.ascd.msk.f32 $0xffff, v14, v14;
	v12, _, _ =	vpop (xrf1)  }
0xdf: {  	(xrf1) =	vsort.ascd.msk.f32 $0xffff, v3, v3;
	v1, _, _ =	vpop (xrf1)  }
0xe0: {  	v15 =	vld [tilespmem:s5+$0x8290];
	v16, _, _ =	vpop (xrf1)  }
0xe1: {  	v17 =	vld [tilespmem:s5+$0x8210];
	v18 =	vand.u32 $0x7FFFFFFF, v4;
	v19, _, _ =	vpop (xrf1)  }
0xe2: {  	v4 =	vand.u32 $0x7FFFFFFF, v8;
	(xrf1) =	vsort.ascd.msk.f32 $0xffff, v18, v18;
	v19 =	vsub.f32 $0.0e+00, v19  }
0xe3: {  	v8 =	vimm.f32 $0.0e+00;
	v42 =	vand.u32 $0x7FFFFFFF, v0;
	(xrf1) =	vsort.ascd.msk.f32 $0xffff, v4, v4;
	v20, _, _ =	vpop (xrf1)  }
0xe4: {  	(xrf1) =	vsort.ascd.msk.f32 $0xffff, v42, v42;
	v1 =	vsub.f32 $0.0e+00, v1;
	v0, _, _ =	vpop (xrf1);
	v19 =	vmin.f32 v8, v19  }
0xe5: {  	v44 =	vld [tilespmem:s5+$0x8010];
	s2 =	simm.s32 $0x100;
	s5 =	simm.s32 $0x20;
	v43 =	vsub.f32 $0.0e+00, v0;
	v0 =	vand.u32 $0x7FFFFFFF, v15;
	(xrf1) =	vsort.ascd.msk.f32 $0xffff, v19, v19  }
0xe6: {  	s2 =	sand.u32 $0x7C00, s2;
	s17 =	ssub.f32 $0.0e+00, s23;
	s5 =	sand.u32 $0x60, s5;
	v1 =	vmin.f32 v8, v1;
	v15 =	vand.u32 $0x7FFFFFFF, v17;
	v17, _, _ =	vpop (xrf1);
	(xrf1) =	vsort.ascd.msk.f32 $0xffff, v0, v0  }
0xe7: {  	s23 =	sor.u32 s5, s2;
	s2 =	simm.s32 $0x1;
	v17 =	vsub.f32 $0.0e+00, v17;
	v19 =	vmin.f32 v8, v43;
	(xrf1) =	vsort.ascd.msk.f32 $0xffff, v15, v15  }
0xe8: {  	s5 =	smul.f32 $1.250000000e-01, s17;
	s2 =	sand.u32 $0x3, s2;
	v45 =	vld [tilespmem:s23+$0x8280];
	(xrf1) =	vsort.ascd.msk.f32 $0xffff, v19, v19  }
0xe9: {  	s12 =	ssub.f32 $0.0e+00, s12;
	s17 =	smul.f32 $2.441406250e-04, s1;
	s1 =	sshll.u32 s2, $0x5;
	v12 =	vsub.f32 $0.0e+00, v12;
	v17 =	vmin.f32 v8, v17;
	v19 =	vld [tilespmem:s23+$0x8080];
	(xrf1) =	vsort.ascd.msk.f32 $0xffff, v1, v1;
	v1, _, _ =	vpop (xrf1)  }
0xea: {  	v23 =	vand.u32 $0x7FFFFFFF, v44;
	v24 =	vld [tilespmem:s23+$0x8110];
	s1 =	sadd.s32 $0x100, s1;
	v1 =	vsub.f32 $0.0e+00, v1;
	(xrf1) =	vsort.ascd.msk.f32 $0xffff, v17, v17  }
0xeb: {  	s2 =	smul.f32 $1.250000000e-01, s12;
	s5 =	ssub.f32 s5, s17;
	s12 =	sor.u32 $0x380, s1;
	v12 =	vmin.f32 v8, v12;
	(xrf1) =	vsort.ascd.msk.f32 $0xffff, v23, v23  }
0xec: {  	v11 =	vadd.f32 v11, v8;
	s17 =	ssub.f32 $0.0e+00, s31;
	s31 =	sor.u32 $0x300, s1;
	v17 =	vld [tilespmem:s12+$0x8000];
	v26, _, _ =	vpop (xrf1);
	v25 =	vmin.f32 v8, v1;
	(xrf1) =	vsort.ascd.msk.f32 $0xffff, v12, v12  }
0xed: {  	v9 =	vadd.f32 v9, v8;
	v27 =	vld [tilespmem:s31+$0x8000];
	v46, _, _ =	vpop (xrf1);
	v1 =	vand.u32 $0x7FFFFFFF, v45;
	(xrf1) =	vsort.ascd.msk.f32 $0xffff, v25, v25  }
0xee: {  	v6 =	vadd.f32 v6, v11;
	v12 =	vand.u32 $0x7FFFFFFF, v19;
	v19 =	vsub.f32 $0.0e+00, v46;
	(xrf1) =	vsort.ascd.msk.f32 $0xffff, v1, v1  }
0xef: {  	v9 =	vadd.f32 v14, v9;
	v14 =	vand.u32 $0x7FFFFFFF, v24;
	v11 =	vsub.f32 $0.0e+00, v20;
	(xrf1) =	vsort.ascd.msk.f32 $0xffff, v12, v12  }
0xf0: {  	s0 =	smul.f32 $2.441406250e-04, s0;
	v48, _, _ =	vpop (xrf1);
	v19 =	vmin.f32 v8, v19;
	(xrf1) =	vsort.ascd.msk.f32 $0xffff, v14, v14  }
0xf1: {  	v10 =	vadd.f32 v10, v8;
	v47 =	vld [tilespmem:s23+$0x8100];
	v11 =	vmin.f32 v8, v11;
	v49, _, _ =	vpop (xrf1);
	v17 =	vand.u32 $0x7FFFFFFF, v17;
	(xrf1) =	vsort.ascd.msk.f32 $0xffff, v19, v19  }
0xf2: {  	s0 =	ssub.f32 s2, s0;
	v50 =	vand.u32 $0x7FFFFFFF, v27;
	v51, _, _ =	vpop (xrf1);
	(xrf1) =	vsort.ascd.msk.f32 $0xffff, v17, v17  }
0xf3: {  	s29 =	smul.f32 $2.441406250e-04, s29;
	v5 =	vadd.f32 v5, v8;
	v10 =	vadd.f32 v18, v10;
	v20 =	vld [tilespmem:s23+$0x8180];
	s12 =	sadd.f32 $0.0e+00, s5;
	(xrf1) =	vsort.ascd.msk.f32 $0xffff, v50, v50;
	v18, _, _ =	vpop (xrf1)  }
0xf4: {  	v13 =	vadd.f32 v13, v8;
	s17 =	smul.f32 $1.250000000e-01, s17;
	s31 =	ssub.f32 $0.0e+00, s30;
	v19 =	vsub.f32 $0.0e+00, v26;
	(xrf1) =	vsort.ascd.msk.f32 $0xffff, v11, v11;
	v11, _, _ =	vpop (xrf1)  }
0xf5: {  	v21 =	vadd.f32 v42, v5;
	v16 =	vsub.f32 $0.0e+00, v16;
	s0 =	sadd.f32 s0, s12;
	v52, _, _ =	vpop (xrf1)  }
0xf6: {  	s30 =	smul.f32 $2.441406250e-04, s26;
	v15 =	vadd.f32 v15, v13;
	s12 =	ssub.f32 s17, s29;
	v13 =	vmin.f32 v18, v19;
	v19 =	vand.u32 $0x7FFFFFFF, v47;
	v53, _, _ =	vpop (xrf1)  }
0xf7: {  	s29 =	smul.f32 $1.250000000e-01, s31;
	s31 =	ssub.f32 $0.0e+00, s28;
	v18 =	vld [tilespmem:s23+$0x8200];
	(xrf1) =	vsort.ascd.msk.f32 $0xffff, v13, v13;
	v13 =	vsub.f32 $0.0e+00, v49;
	v5 =	vmin.f32 v53, v16;
	v16 =	vsub.f32 $0.0e+00, v51  }
0xf8: {  	s1 =	sadd.s32 $0x10, s1;
	v20 =	vand.u32 $0x7FFFFFFF, v20;
	s0 =	sadd.f32 s12, s0;
	(xrf1) =	vsort.ascd.msk.f32 $0xffff, v19, v19;
	v54, _, _ =	vpop (xrf1)  }
0xf9: {  	v2 =	vadd.f32 v2, v8;
	s26 =	ssub.f32 s29, s30;
	s28 =	smul.f32 $1.250000000e-01, s31;
	s31 =	sor.u32 $0x380, s1;
	v11 =	vsub.f32 $0.0e+00, v11;
	(xrf1) =	vsort.ascd.msk.f32 $0xffff, v20, v20;
	v13 =	vmin.f32 v54, v13  }
0xfa: {  	v3 =	vadd.f32 v3, v8;
	s30 =	ssub.f32 $0.0e+00, s25;
	v28 =	vld [tilespmem:s31+$0x8000];
	v55, _, _ =	vpop (xrf1);
	(xrf1) =	vsort.ascd.msk.f32 $0xffff, v5, v5  }
0xfb: {  	v56 =	vadd.f32 v4, v2;
	s29 =	smul.f32 $2.441406250e-04, s24;
	s24 =	ssub.f32 $0.0e+00, s22;
	s1 =	sor.u32 $0x300, s1;
	v5 =	vld [tilespmem:s23+$0x8000];
	v2 =	vmin.f32 v55, v16;
	v16, _, _ =	vpop (xrf1);
	(xrf1) =	vsort.ascd.msk.f32 $0xffff, v13, v13  }
0xfc: {  	s21 =	smul.f32 $2.441406250e-04, s21;
	v4 =	vadd.f32 v23, v3;
	v57 =	vld [tilespmem:s1+$0x8000];
	s0 =	sadd.f32 s26, s0;
	v3 =	vand.u32 $0x7FFFFFFF, v18;
	v18 =	vsub.f32 $0.0e+00, v52;
	v13, _, _ =	vpop (xrf1);
	(xrf1) =	vsort.ascd.msk.f32 $0xffff, v2, v2  }
0xfd: {  	s5 =	ssub.f32 s28, s29;
	s17 =	smul.f32 $1.250000000e-01, s30;
	v2 =	vadd.f32 v17, v9;
	v17 =	vld [tilespmem:s23+$0x8210];
	(xrf1) =	vsort.ascd.msk.f32 $0xffff, v3, v3;
	v9 =	vmin.f32 v13, v11;
	v11, _, _ =	vpop (xrf1)  }
0xfe: {  	s25 =	smul.f32 $1.250000000e-01, s24;
	s28 =	ssub.f32 $0.0e+00, s20;
	v6 =	vadd.f32 v19, v6;
	v13, _, _ =	vpop (xrf1);
	v11 =	vmin.f32 v11, v18;
	(xrf1) =	vsort.ascd.msk.f32 $0xffff, v9, v9  }
0xff: {  	v59 =	vld [tilespmem:s23+$0x8090];
	v58 =	vsub.f32 $0.0e+00, v48;
	s26 =	smul.f32 $2.441406250e-04, s19;
	s0 =	sadd.f32 s5, s0;
	v60 =	vand.u32 $0x7FFFFFFF, v28;
	v19, _, _ =	vpop (xrf1);
	(xrf1) =	vsort.ascd.msk.f32 $0xffff, v11, v11  }
0x100: {  	s30 =	smul.f32 $2.441406250e-04, s18;
	s2 =	ssub.f32 s17, s21;
	v6 =	vadd.f32 v14, v6;
	v18 =	vld [tilespmem:s23+$0x8190];
	v11 =	vadd.f32 v50, v10;
	v10 =	vand.u32 $0x7FFFFFFF, v5;
	v9, _, _ =	vpop (xrf1);
	(xrf1) =	vsort.ascd.msk.f32 $0xffff, v60, v60  }
0x101: {  	s1 =	ssub.f32 s25, s26;
	s29 =	smul.f32 $1.250000000e-01, s28;
	v14 =	vadd.f32 v3, v15;
	v5 =	vsub.f32 $0.0e+00, v16;
	v16 =	vand.u32 $0x7FFFFFFF, v57;
	(xrf1) =	vsort.ascd.msk.f32 $0xffff, v10, v10  }
0x102: {  	s0 =	sadd.f32 s2, s0;
	v61, _, _ =	vpop (xrf1);
	v15 =	vand.u32 $0x7FFFFFFF, v17;
	v3 =	vadd.f32 v16, v11;
	v11 =	vadd.f32 v7, v8;
	(xrf1) =	vsort.ascd.msk.f32 $0xffff, v16, v16  }
0x103: {  	v62 =	vld [tilespmem:s23+$0x8290];
	s31 =	ssub.f32 s29, s30;
	v17, _, _ =	vpop (xrf1);
	v16 =	vmin.f32 v61, v5;
	v5 =	vadd.f32 v15, v14;
	v14 =	vadd.f32 v20, v21  }
0x104: {  	s0 =	sadd.f32 s1, s0;
	v8 =	vand.u32 $0x7FFFFFFF, v59;
	v7, _, _ =	vpop (xrf1);
	(xrf1) =	vsort.ascd.msk.f32 $0xffff, v16, v16;
	v16 =	vsub.f32 $0.0e+00, v19;
	v19 =	vadd.f32 v12, v56  }
0x105: {  	v17 =	vsub.f32 $0.0e+00, v17;
	v18 =	vand.u32 $0x7FFFFFFF, v18;
	(xrf1) =	vsort.ascd.msk.f32 $0xffff, v8, v8;
	v20, _, _ =	vpop (xrf1)  }
0x106: {  	s0 =	sadd.f32 s31, s0;
	v2 =	vadd.f32 v60, v2;
	(xrf1) =	vsort.ascd.msk.f32 $0xffff, v18, v18;
	v20 =	vmin.f32 v20, v58;
	v63, _, _ =	vpop (xrf1)  }
0x107: {  	s18 =	simm.s32 $0x200;
	s19 =	simm.s32 $0x2;
	v12 =	vsub.f32 $0.0e+00, v7;
	v7 =	vadd.f32 v18, v14;
	v21 =	vmin.f32 v63, v17;
	v14, _, _ =	vpop (xrf1);
	(xrf1) =	vsort.ascd.msk.f32 $0xffff, v20, v20  }
0x108: {  	s20 =	simm.s32 $0x40;
	s17 =	simm.s32 $0x2;
	s16 =	sadd.f32 s0, s16;
	v8 =	vadd.f32 v8, v19;
	v17 =	vld [tilespmem:s23+$0x8010];
	v18 =	vsub.f32 $0.0e+00, v14;
	v14 =	vand.u32 $0x7FFFFFFF, v62;
	v19, _, _ =	vpop (xrf1);
	(xrf1) =	vsort.ascd.msk.f32 $0xffff, v21, v21  }
.LBB2_5:
0x109: {  	s0 =	sand.u32 $0x3, s19;
	s1 =	sand.u32 $0x60, s20;
	s2 =	sand.u32 $0x7C00, s18;
	(xrf1) =	vsort.ascd.msk.f32 $0xffff, v14, v14;
	v11 =	vadd.f32 v0, v11;
	v20, _, _ =	vpop (xrf1);
	v0 =	vmov v14  }
0x10a: {  	s17 =	sadd.s32 $0x2, s17;
	s0 =	sshll.u32 s0, $0x5;
	s21 =	sor.u32 s1, s2;
	v20 =	vmin.f32 v20, v18;
	v18 =	vsub.f32 $0.0e+00, v19;
	(xrf1) =	vsort.ascd.msk.f32 $0xffff, v15, v15;
	v15, _, _ =	vpop (xrf1)  }
0x10b: {  	p0 =	slt.u32 s17, $0xFE;
	s0 =	sadd.s32 s0, s18;
	v19 =	vld [tilespmem:s21+$0x8280];
	v15 =	vmin.f32 v15, v16;
	(xrf1) =	vsort.ascd.msk.f32 $0xffff, v20, v20;
	v14, _, _ =	vpop (xrf1)  }
0x10c: {  	v4 =	vadd.f32 v10, v4;
	v20 =	vsub.f32 $0.0e+00, v13;
	v16 =	vld [tilespmem:s21+$0x8080];
	s1 =	sor.u32 $0x300, s0;
	s2 =	sor.u32 $0x380, s0;
	s0 =	sadd.s32 $0x10, s0;
	v18 =	vmin.f32 v14, v18;
	(xrf1) =	vsort.ascd.msk.f32 $0xffff, v15, v15;
	v14, _, _ =	vpop (xrf1)  }
0x10d: {  	v15 =	vld [tilespmem:s21+$0x8110];
	s5 =	sor.u32 $0x380, s0;
	v14 =	vsub.f32 $0.0e+00, v14;
	v17 =	vand.u32 $0x7FFFFFFF, v17;
	(xrf1) =	vsort.ascd.msk.f32 $0xffff, v18, v18;
	v10, _, _ =	vpop (xrf1)  }
0x10e: {  	s0 =	sor.u32 $0x300, s0;
	v18 =	vld [tilespmem:s2+$0x8000];
	v21 =	vmin.f32 v10, v20;
	v4 =	vadd.f32 v17, v4;
	(xrf1) =	vsort.ascd.msk.f32 $0xffff, v17, v17;
	v13, _, _ =	vpop (xrf1)  }
0x10f: {  	v17 =	vld [tilespmem:s1+$0x8000];
	v13 =	vmin.f32 v13, v14;
	(xrf1) =	vsort.ascd.msk.f32 $0xffff, v21, v21;
	v10, _, _ =	vpop (xrf1)  }
0x110: {  	v14 =	vld [tilespmem:s21+$0x8100];
	v19 =	vand.u32 $0x7FFFFFFF, v19;
	v20, _, _ =	vpop (xrf1);
	(xrf1) =	vsort.ascd.msk.f32 $0xffff, v13, v13  }
0x111: {  	v21 =	vand.u32 $0x7FFFFFFF, v16;
	v13 =	vld [tilespmem:s5+$0x8000];
	(xrf1) =	vsort.ascd.msk.f32 $0xffff, v19, v19;
	v28 =	vsub.f32 $0.0e+00, v20;
	v20, _, _ =	vpop (xrf1)  }
0x112: {  	v22 =	vld [tilespmem:s21+$0x8000];
	v15 =	vand.u32 $0x7FFFFFFF, v15;
	(xrf1) =	vsort.ascd.msk.f32 $0xffff, v21, v21;
	v20 =	vsub.f32 $0.0e+00, v20;
	v23, _, _ =	vpop (xrf1)  }
0x113: {  	v10 =	vsub.f32 $0.0e+00, v10;
	v24 =	vld [tilespmem:s21+$0x8180];
	v27 =	vand.u32 $0x7FFFFFFF, v18;
	(xrf1) =	vsort.ascd.msk.f32 $0xffff, v15, v15;
	v26 =	vmin.f32 v23, v28;
	v23, _, _ =	vpop (xrf1)  }
0x114: {  	v17 =	vand.u32 $0x7FFFFFFF, v17;
	v25 =	vld [tilespmem:s0+$0x8000];
	(xrf1) =	vsort.ascd.msk.f32 $0xffff, v26, v26;
	v16, _, _ =	vpop (xrf1)  }
0x115: {  	v2 =	vadd.f32 v27, v2;
	v26 =	vld [tilespmem:s21+$0x8200];
	(xrf1) =	vsort.ascd.msk.f32 $0xffff, v27, v27;
	v18, _, _ =	vpop (xrf1)  }
0x116: {  	v27 =	vld [tilespmem:s21+$0x8090];
	v28 =	vand.u32 $0x7FFFFFFF, v13;
	(xrf1) =	vsort.ascd.msk.f32 $0xffff, v17, v17;
	v18 =	vmin.f32 v18, v12;
	v13, _, _ =	vpop (xrf1)  }
0x117: {  	v30 =	vand.u32 $0x7FFFFFFF, v14;
	v29 =	vld [tilespmem:s21+$0x8290];
	v2 =	vadd.f32 v28, v2;
	v10 =	vmin.f32 v13, v10;
	(xrf1) =	vsort.ascd.msk.f32 $0xffff, v18, v18;
	v12, _, _ =	vpop (xrf1)  }
0x118: {  	v9 =	vsub.f32 $0.0e+00, v9;
	v6 =	vadd.f32 v30, v6;
	v18 =	vand.u32 $0x7FFFFFFF, v24;
	v13 =	vld [tilespmem:s21+$0x8210];
	v24, _, _ =	vpop (xrf1);
	(xrf1) =	vsort.ascd.msk.f32 $0xffff, v10, v10  }
0x119: {  	v3 =	vadd.f32 v17, v3;
	v10 =	vsub.f32 $0.0e+00, v23;
	v17 =	vand.u32 $0x7FFFFFFF, v25;
	(xrf1) =	vsort.ascd.msk.f32 $0xffff, v30, v30;
	v14, _, _ =	vpop (xrf1)  }
0x11a: {  	v25 =	vsub.f32 $0.0e+00, v16;
	v23 =	vand.u32 $0x7FFFFFFF, v26;
	(xrf1) =	vsort.ascd.msk.f32 $0xffff, v18, v18;
	v9 =	vmin.f32 v14, v9;
	v16, _, _ =	vpop (xrf1)  }
0x11b: {  	v6 =	vadd.f32 v15, v6;
	v10 =	vmin.f32 v16, v10;
	v15, _, _ =	vpop (xrf1);
	(xrf1) =	vsort.ascd.msk.f32 $0xffff, v9, v9  }
0x11c: {  	v5 =	vadd.f32 v23, v5;
	v16 =	vsub.f32 $0.0e+00, v12;
	v9 =	vmin.f32 v15, v25;
	v14, _, _ =	vpop (xrf1);
	(xrf1) =	vsort.ascd.msk.f32 $0xffff, v10, v10  }
0x11d: {  	v3 =	vadd.f32 v17, v3;
	v10 =	vsub.f32 $0.0e+00, v24;
	v15 =	vand.u32 $0x7FFFFFFF, v13;
	v13, _, _ =	vpop (xrf1);
	(xrf1) =	vsort.ascd.msk.f32 $0xffff, v9, v9  }
0x11e: {  	v5 =	vadd.f32 v15, v5;
	(xrf1) =	vsort.ascd.msk.f32 $0xffff, v23, v23;
	v16 =	vmin.f32 v13, v16;
	v12, _, _ =	vpop (xrf1)  }
0x11f: {  	v13, _, _ =	vpop (xrf1);
	v10 =	vmin.f32 v12, v10;
	(xrf1) =	vsort.ascd.msk.f32 $0xffff, v16, v16  }
0x120: {  	v23 =	vld [tilespmem:s21+$0x8190];
	v9, _, _ =	vpop (xrf1);
	(xrf1) =	vsort.ascd.msk.f32 $0xffff, v10, v10  }
0x121: {  	v12 =	vsub.f32 $0.0e+00, v14;
	v10 =	vand.u32 $0x7FFFFFFF, v22;
	v16 =	vsub.f32 $0.0e+00, v9;
	v9, _, _ =	vpop (xrf1);
	(xrf1) =	vsort.ascd.msk.f32 $0xffff, v28, v28  }
0x122: {  	(xrf1) =	vsort.ascd.msk.f32 $0xffff, v10, v10;
	v14, _, _ =	vpop (xrf1)  }
0x123: {  	v11 =	vadd.f32 v1, v11;
	v1 =	vmov v19;
	v22, _, _ =	vpop (xrf1);
	(xrf1) =	vsort.ascd.msk.f32 $0xffff, v17, v17;
	v12 =	vmin.f32 v14, v12  }
.Ltmp1:
0x124: {  	v8 =	vadd.f32 v21, v8;
	v7 =	vadd.f32 v18, v7;
	v14 =	vand.u32 $0x7FFFFFFF, v27;
	v17, _, _ =	vpop (xrf1);
	(xrf1) =	vsort.ascd.msk.f32 $0xffff, v12, v12;
	(pc) =	sbr.rel @p0 .LBB2_5-.Ltmp1, $4  }
0x125: {  	v12 =	vsub.f32 $0.0e+00, v17;
	v17 =	vsub.f32 $0.0e+00, v22;
	v18 =	vand.u32 $0x7FFFFFFF, v23;
	(xrf1) =	vsort.ascd.msk.f32 $0xffff, v14, v14;
	v19, _, _ =	vpop (xrf1)  }
0x126: {  	v7 =	vadd.f32 v18, v7;
	(xrf1) =	vsort.ascd.msk.f32 $0xffff, v18, v18;
	v18 =	vmin.f32 v19, v20;
	v19, _, _ =	vpop (xrf1)  }
0x127: {  	v8 =	vadd.f32 v14, v8;
	v20 =	vmin.f32 v19, v17;
	v14, _, _ =	vpop (xrf1);
	(xrf1) =	vsort.ascd.msk.f32 $0xffff, v18, v18  }
0x128: {  	s19 =	sadd.s32 $0x1, s19;
	s20 =	sadd.s32 $0x20, s20;
	s18 =	sadd.s32 $0x100, s18;
	v18 =	vsub.f32 $0.0e+00, v14;
	v17 =	vld [tilespmem:s21+$0x8010];
	v14 =	vand.u32 $0x7FFFFFFF, v29;
	v19, _, _ =	vpop (xrf1);
	(xrf1) =	vsort.ascd.msk.f32 $0xffff, v20, v20  }
0x129: {  	v20, _, _ =	vpop (xrf1)  }
0x12a: {  	v21, _, _ =	vpop (xrf1)  }
0x12b: {  	v22, _, _ =	vpop (xrf1)  }
0x12c: {  	(xrf1) =	vsort.ascd.msk.f32 $0xffff, v14, v14;
	v23, _, _ =	vpop (xrf1)  }
0x12d: {  	v19 =	vsub.f32 $0.0e+00, v19;
	v18 =	vmin.f32 v20, v18;
	(xrf1) =	vsort.ascd.msk.f32 $0xffff, v15, v15;
	v49, _, _ =	vpop (xrf1)  }
0x12e: {  	v16 =	vmin.f32 v21, v16;
	(xrf1) =	vsort.ascd.msk.f32 $0xffff, v18, v18;
	v50, _, _ =	vpop (xrf1)  }
0x12f: {  	v13 =	vsub.f32 $0.0e+00, v13;
	v19 =	vmin.f32 v22, v19;
	(xrf1) =	vsort.ascd.msk.f32 $0xffff, v16, v16;
	v51, _, _ =	vpop (xrf1)  }
0x130: {  	v52 =	vsub.f32 $0.0e+00, v23;
	v17 =	vand.u32 $0x7FFFFFFF, v17;
	(xrf1) =	vsort.ascd.msk.f32 $0xffff, v19, v19;
	v53, _, _ =	vpop (xrf1)  }
0x131: {  	v13 =	vmin.f32 v49, v13;
	(xrf1) =	vsort.ascd.msk.f32 $0xffff, v17, v17;
	v54 =	vsub.f32 $0.0e+00, v53;
	v55, _, _ =	vpop (xrf1)  }
0x132: {  	v18 =	vmin.f32 v50, v52;
	(xrf1) =	vsort.ascd.msk.f32 $0xffff, v13, v13;
	v56, _, _ =	vpop (xrf1)  }
0x133: {  	(xrf1) =	vsort.ascd.msk.f32 $0xffff, v18, v18;
	v13 =	vmin.f32 v56, v54  }
0x134: {  	(xrf1) =	vsort.ascd.msk.f32 $0xffff, v13, v13;
	_ =	sdelay $0x1  }
0x135: {  	v57, _, _ =	vpop (xrf1)  }
0x136: {  	v58, _, _ =	vpop (xrf1)  }
0x137: {  	v59, _, _ =	vpop (xrf1)  }
0x138: {  	v60, _, _ =	vpop (xrf1)  }
0x139: {  	v61, _, _ =	vpop (xrf1)  }
0x13a: {  	v16 =	vsub.f32 $0.0e+00, v51;
	v62, _, _ =	vpop (xrf1)  }
0x13b: {  	v9 =	vsub.f32 $0.0e+00, v9;
	v12 =	vmin.f32 v59, v12;
	v63, _, _ =	vpop (xrf1)  }
0x13c: {  	v23 =	vsub.f32 $0.0e+00, v57;
	v16 =	vmin.f32 v60, v16;
	(xrf1) =	vsort.ascd.msk.f32 $0xffff, v12, v12;
	v24, _, _ =	vpop (xrf1)  }
0x13d: {  	v15 =	vsub.f32 $0.0e+00, v58;
	(xrf1) =	vsort.ascd.msk.f32 $0xffff, v16, v16;
	v9 =	vmin.f32 v63, v9;
	v25, _, _ =	vpop (xrf1)  }
0x13e: {  	v26 =	vsub.f32 $0.0e+00, v61;
	v12 =	vmin.f32 v24, v23;
	(xrf1) =	vsort.ascd.msk.f32 $0xffff, v9, v9;
	v27, _, _ =	vpop (xrf1)  }
0x13f: {  	v28 =	vsub.f32 $0.0e+00, v62;
	v15 =	vmin.f32 v25, v15;
	(xrf1) =	vsort.ascd.msk.f32 $0xffff, v12, v12;
	v29, _, _ =	vpop (xrf1)  }
0x140: {  	(xrf1) =	vsort.ascd.msk.f32 $0xffff, v15, v15;
	v13 =	vsub.f32 $0.0e+00, v27;
	v9 =	vmin.f32 v29, v26;
	v30, _, _ =	vpop (xrf1)  }
0x141: {  	v12 =	vmin.f32 v30, v28;
	(xrf1) =	vsort.ascd.msk.f32 $0xffff, v9, v9;
	v31, _, _ =	vpop (xrf1)  }
0x142: {  	(xrf1) =	vsort.ascd.msk.f32 $0xffff, v12, v12;
	v9 =	vmin.f32 v31, v13  }
0x143: {  	(xrf1) =	vsort.ascd.msk.f32 $0xffff, v9, v9;
	_ =	sdelay $0x6  }
0x144: {  	v32, _, _ =	vpop (xrf1)  }
0x145: {  	v33, _, _ =	vpop (xrf1)  }
0x146: {  	v34, _, _ =	vpop (xrf1)  }
0x147: {  	v35, _, _ =	vpop (xrf1)  }
0x148: {  	v36, _, _ =	vpop (xrf1)  }
0x149: {  	v37, _, _ =	vpop (xrf1)  }
0x14a: {  	v4 =	vadd.f32 v10, v4;
	v38, _, _ =	vpop (xrf1)  }
0x14b: {  	v39, _, _ =	vpop (xrf1)  }
0x14c: {  	v4 =	vadd.f32 v17, v4;
	v40 =	vnsel vm0, $0x0, v39  }
0x14d: {  	(xrf2) =	vadd.scan.msk.f32 $0xffff, v40  }
0x14e: {  	v41 =	vnsel vm0, $0x0, v35;
	(xrf2) =	vadd.scan.msk.f32 $0xffff, v4  }
0x14f: {  	(xrf2) =	vadd.scan.msk.f32 $0xffff, v41;
	_ =	sdelay $0x2  }
0x150: {  	(xrf2) =	vadd.scan.msk.f32 $0xffff, v8;
	_ =	sdelay $0x1  }
0x151: {  	v42 =	vsub.f32 $0.0e+00, v55;
	v43 =	vnsel vm0, $0x0, v34  }
0x152: {  	(xrf2) =	vadd.scan.msk.f32 $0xffff, v43  }
0x153: {  	v4 =	vmin.f32 v32, v42  }
0x154: {  	(xrf1) =	vsort.ascd.msk.f32 $0xffff, v4, v4;
	v10, _, _ =	vpop (xrf2)  }
0x155: {  	v45 =	vnsel vm0, $0x0, v36;
	(v2sf) =	vpush v10, $0xF;
	v44, _, _ =	vpop (xrf2);
	(xrf2) =	vadd.scan.msk.f32 $0xffff, v6  }
0x156: {  	v46, _, _ =	vpop (xrf2);
	(xrf2) =	vadd.scan.msk.f32 $0xffff, v45  }
0x157: {  	(v2sf) =	vpush v44, $0xF;
	_ =	sdelay $0x1  }
0x158: {  	(v2sf) =	vpush v46, $0xF;
	v47, _, _ =	vpop (xrf2);
	(xrf2) =	vadd.scan.msk.f32 $0xffff, v7  }
0x159: {  	v0 =	vadd.f32 v0, v11;
	v48 =	vnsel vm0, $0x0, v38  }
0x15a: {  	(v2sf) =	vpush v47, $0xF;
	(xrf2) =	vadd.scan.msk.f32 $0xffff, v48  }
0x15b: {  	v0 =	vadd.f32 v1, v0;
	v49, _, _ =	vpop (xrf2)  }
0x15c: {  	(v2sf) =	vpush v49, $0xF;
	(xrf2) =	vadd.scan.msk.f32 $0xffff, v5  }
0x15d: {  	v0 =	vadd.f32 v14, v0;
	v51 =	vnsel vm0, $0x0, v37  }
0x15e: {  	v50, _, _ =	vpop (xrf2);
	(xrf2) =	vadd.scan.msk.f32 $0xffff, v51  }
0x15f: {  	v52, _, _ =	vpop (xrf2);
	(xrf2) =	vadd.scan.msk.f32 $0xffff, v0  }
0x160: {  	(v2sf) =	vpush v50, $0xF  }
0x161: {  	v54, _, _ =	vpop (xrf1)  }
0x162: {  	(v2sf) =	vpush v52, $0xF;
	v53, _, _ =	vpop (xrf2)  }
0x163: {  	v0 =	vnsel vm0, $0x0, v54;
	s0 =	spop (v2sf);
	(v2sf) =	vpush v53, $0xF  }
0x164: {  	v55, _, _ =	vpop (xrf2);
	(xrf2) =	vadd.scan.msk.f32 $0xffff, v0  }
0x165: {  	s1 =	spop (v2sf);
	(v2sf) =	vpush v55, $0xF  }
0x166: {  	v56, _, _ =	vpop (xrf2);
	s0 =	ssub.f32 $0.0e+00, s0  }
0x167: {  	v57 =	vnsel vm0, $0x0, v33;
	(xrf2) =	vadd.scan.msk.f32 $0xffff, v3;
	s1 =	smul.f32 $2.441406250e-04, s1;
	s2 =	spop (v2sf);
	(v2sf) =	vpush v56, $0xF  }
0x168: {  	s0 =	smul.f32 $1.250000000e-01, s0;
	s2 =	ssub.f32 $0.0e+00, s2;
	v58, _, _ =	vpop (xrf2);
	(xrf2) =	vadd.scan.msk.f32 $0xffff, v57  }
0x169: {  	s18 =	spop (v2sf);
	v59, _, _ =	vpop (xrf2);
	(xrf2) =	vadd.scan.msk.f32 $0xffff, v2  }
0x16a: {  	s0 =	ssub.f32 s0, s1;
	s2 =	smul.f32 $1.250000000e-01, s2;
	(v2sf) =	vpush v58, $0xF  }
0x16b: {  	s19 =	spop (v2sf);
	s1 =	smul.f32 $2.441406250e-04, s18;
	(v2sf) =	vpush v59, $0xF  }
0x16c: {  	s0 =	sadd.f32 $0.0e+00, s0  }
0x16d: {  	s1 =	ssub.f32 s2, s1  }
0x16e: {  	s2 =	ssub.f32 $0.0e+00, s19;
	v60, _, _ =	vpop (xrf2)  }
0x16f: {  	s20 =	spop (v2sf);
	(v2sf) =	vpush v60, $0xF  }
0x170: {  	s0 =	sadd.f32 s1, s0;
	s2 =	smul.f32 $1.250000000e-01, s2  }
0x171: {  	v61, _, _ =	vpop (xrf2);
	s1 =	smul.f32 $2.441406250e-04, s20;
	s5 =	spop (v2sf)  }
0x172: {  	s5 =	ssub.f32 $0.0e+00, s5;
	s21 =	spop (v2sf);
	(v2sf) =	vpush v61, $0xF;
	v62, _, _ =	vpop (xrf2)  }
0x173: {  	s1 =	ssub.f32 s2, s1;
	(v2sf) =	vpush v62, $0xF;
	v63, _, _ =	vpop (xrf2)  }
0x174: {  	s5 =	smul.f32 $1.250000000e-01, s5;
	s22 =	spop (v2sf);
	(v2sf) =	vpush v63, $0xF  }
0x175: {  	s2 =	smul.f32 $2.441406250e-04, s21;
	s0 =	sadd.f32 s1, s0  }
0x176: {  	s1 =	ssub.f32 $0.0e+00, s22;
	s23 =	spop (v2sf)  }
0x177: {  	s2 =	ssub.f32 s5, s2;
	s5 =	smul.f32 $2.441406250e-04, s23  }
0x178: {  	s1 =	smul.f32 $1.250000000e-01, s1  }
0x179: {  	s0 =	sadd.f32 s2, s0;
	s24 =	spop (v2sf)  }
0x17a: {  	s2 =	ssub.f32 $0.0e+00, s24;
	s25 =	spop (v2sf)  }
0x17b: {  	s1 =	ssub.f32 s1, s5;
	s5 =	smul.f32 $2.441406250e-04, s25  }
0x17c: {  	s2 =	smul.f32 $1.250000000e-01, s2  }
0x17d: {  	s0 =	sadd.f32 s1, s0  }
0x17e: {  	s26 =	spop (v2sf);
	s2 =	ssub.f32 s2, s5  }
0x17f: {  	s1 =	ssub.f32 $0.0e+00, s26  }
0x180: {  	s0 =	sadd.f32 s2, s0  }
0x181: {  	s1 =	smul.f32 $1.250000000e-01, s1;
	s28 =	spop (v2sf)  }
0x182: {  	s29 =	spop (v2sf);
	s5 =	smul.f32 $2.441406250e-04, s28  }
0x183: {  	s2 =	ssub.f32 $0.0e+00, s29;
	s30 =	spop (v2sf)  }
0x184: {  	s1 =	ssub.f32 s1, s5;
	s5 =	smul.f32 $2.441406250e-04, s30  }
0x185: {  	s15 =	sadd.s32 $0x1, s15;
	s2 =	smul.f32 $1.250000000e-01, s2  }
0x186: {  	p0 =	sne.s32 s15, $0x8;
	s0 =	sadd.f32 s1, s0  }
.Ltmp2:
0x187: {  	s31 =	ssub.f32 s2, s5;
	(pc) =	sbr.rel @p0 .LBB2_2-.Ltmp2, $3  }
0x188: {  	_ = 	snop  }
0x189: {  	s0 =	sadd.f32 s31, s0;
	_ =	sdelay $0x1  }
0x18a: {  	s16 =	sadd.f32 s0, s16  }
0x18b: {  	_ = 	snop  }
0x18c: {  	v0 =	vmov s16  }
0x18d: {  	v0 =	vadd.f32 $0.0e+00, v0;
	_ =	sdelay $0x1  }
0x18e: {  	s14 =	sadd.s32 $0x1, s14;
	v0 =	vbroadcast v0, $0x0  }
0x18f: {  	p0 =	sne.s32 s14, s8  }
.Ltmp3:
0x190: {  	s12 =	simm.s32 $0x0;
	s0 =	simm.s32 $0x10000;
	[tilespmem:$0x10000] =	vst v0;
	(pc) =	sbr.rel @p0 .LBB2_1-.Ltmp3, $4  }
0x191: {  	[hbm4b:s7+s12] =	stream.linear.scatter [tilespmem:s0], [sflag:$0x3], $0x80, $0x38;
	[tilespmem:$0x10080] =	vst v63  }
0x192: {  	_ =	swait.ge [sflag:s13], $0x80  }
0x193: {  	[sflag:s13] =	ssyncset.done $0x0  }
0x194: {  	[sflag:s13] =	ssyncadd.s32 $0xFFFFFF80  }
0x195: {  	_ =	sfence.sel $0x180000  }
0x196: {  	[bflag:$0x0] =	sbarrier.arrive $0xFFFF  }
0x197: {  	_ =	strace $0x9000004A  }
0x198: {  	s0 =	stileid.u32;
	[bflag:$0x2] =	sbarrier.arrive $0xFFFF  }
0x199: {  	p0 =	sne.s32 s0, $0x0;
	s0 =	rddreg [dreg:$0x1]  }
0x19a: {  	s0 =	sadd.s32 @!p0 $0x100000, s0  }
0x19b: {  	[sflag:s0] =	ssyncadd.tile.s32 @!p0 $0x1;
	_ =	shalt  }
.Lfunc_end2:
_tile_overlayer_lowered:
.L_overlay_start_2:
0x19c: {  	(tag) =	ssettag $0x2  }
0x19d: {  	s0 =	rddreg [dreg:$0x0];
	s2 =	stileid.u32  }
0x19e: {  	s1 =	rddreg [dreg:$0x1];
	p0 =	sne.s32 s2, $0x0  }
0x19f: {  	s3 =	rddreg [dreg:$0x2];
	[bflag:$0x3] =	sbarrier.arrive $0xFFFF;
	s2 =	simm.s32 @!p0 $0x1C03  }
0x1a0: {  	[timem:s3], [sflag:s2] =	dma.local @!p0 [hbm:s0], s1  }
0x1a1: {  	s0 =	simm.s32 @!p0 $0x3  }
0x1a2: {  	_ =	swait.ge @!p0 [sflag:s0], s1  }
0x1a3: {  	s1 =	ssub.s32 @!p0 $0x0, s1;
	[sflag:s0] =	ssyncset.done @!p0 $0x0  }
0x1a4: {  	[sflag:s0] =	ssyncadd.s32 @!p0 s1  }
0x1a5: {  	[bflag:$0x3] =	sbarrier.arrive $0xFFFF  }
0x1a6: {  	_ =	shalt  }

// kernel: sparse-core-data-format-call.cloned.1.call-start
scs
called_computation_lowered:
.L_overlay_start_0:
0x0: {  	s2 =	sld [smem:$0x3FD9]  }
0x1: {  	s3 =	sld [smem:$0x3FFE];
	_ =	sdelay $0x1  }
0x2: {  	s1 =	srdreg.scid  }
0x3: {  	s0 =	sand.u32 $0x1, s1  }
0x4: {  	s18 =	sshll.u32 s0, $0xA;
	s2 =	sadd.s32 s3, s2  }
0x5: {  	s2 =	sadd.s32 s2, s18  }
0x6: {  	[smem:$0x3FC7] =	sst s2  }
0x7: {  	_ = 	snop  }
0x8: {  	s2 =	sld [smem:$0x3FC9];
	(tm) =	ssettm $0x1  }
0x9: {  	s19 =	sld [smem:$0x3FFB];
	_ =	sdelay $0x3  }
0xa: {  	_ =	strace s19  }
0xb: {  	s3 =	sld [smem:$0x3FFC];
	_ =	sdelay $0x3  }
0xc: {  	_ =	strace s3  }
0xd: {  	s3 =	sld [smem:$0x3FFD];
	_ =	sdelay $0x3  }
0xe: {  	_ =	strace s3  }
0xf: {  	_ =	strace $0x8FFFFFFF  }
0x10: {  	s20 =	sld [smem:$0x3FDB];
	_ =	sdelay $0x1  }
0x11: {  	s4 =	simm.s32 $_scs_section_size  }
0x12: {  	s5 =	simm.s32 $_size__tile_overlayer_lowered;
	s6 =	simm.s32 $_tile_overlayer_lowered  }
0x13: {  	s23 =	simm.s32 $0x1BFF;
	s22 =	sshll.u32 s6, $0x1;
	s3 =	sadd.s32 s4, s20  }
0x14: {  	s7 =	simm.s32 $0x0;
	s21 =	sshll.u32 s5, $0x1;
	s5 =	sadd.s32 s22, s3  }
0x15: {  	[timem:s7], [sflag:s23] =	dma.local [hbm:s5], s21  }
0x16: {  	_ =	swait.ge [sflag:s23], s21  }
0x17: {  	s4 =	ssub.s32 $0x0, s21;
	[sflag:s23] =	ssyncset.done $0x0  }
0x18: {  	[sflag:s23] =	ssyncadd.s32 s4;
	_ =	sdelay $0x1  }
0x19: {  	s24 =	simm.s32 $0x1B8B  }
0x1a: {  	_ =	swait.ge [sflag:s24], $0x1  }
0x1b: {  	[sflag:s24] =	ssyncset.done $0x0  }
0x1c: {  	s26 =	simm.s32 $0x1B8E;
	s25 =	sld [smem:$0x3FFE];
	[sflag:s24] =	ssyncadd.s32 $0xFFFFFFFF  }
0x1d: {  	s27 =	simm.s32 $execute0_lowered;
	[smem:$0x3FD2] =	sst s26  }
0x1e: {  	s5 =	sshll.u32 s27, $0x1;
	_ =	strace $0x80000046;
	[dreg:$0x1] =	wrdreg $0xFFFFFFFF  }
0x1f: {  	s28 =	simm.s32 $_size_execute0_lowered;
	s3 =	sadd.s32 s3, s5;
	[dreg:$0x0] =	wrdreg $0x0  }
0x20: {  	s5 =	sshll.u32 s28, $0x1;
	[dreg:$0x2] =	wrdreg s3  }
0x21: {  	[dreg:$0x3] =	wrdreg s5  }
0x22: {  	[dreg:$0x4] =	wrdreg $0xC0  }
0x23: {  	_ =	task [dreg:s7], $0x5FFFF  }
0x24: {  	[dreg:$0x1] =	wrdreg $0xFFFFFFFF  }
0x25: {  	[dreg:$0x0] =	wrdreg $0x60  }
0x26: {  	[dreg:$0x2] =	wrdreg s2  }
0x27: {  	[dreg:$0x3] =	wrdreg s25  }
0x28: {  	[dreg:$0x4] =	wrdreg $0x9  }
0x29: {  	_ =	task.clear_ibuf [dreg:s7], $0x5FFFF;
	_ =	strace $0x90000046  }
0x2a: {  	s29 =	simm.s32 $0x9;
	_ =	strace $0x80000048  }
0x2b: {  	_ =	swait.ge [sflag:s29], $0x1  }
0x2c: {  	[sflag:s29] =	ssyncadd.s32 $0xFFFFFFFF  }
0x2d: {  	_ =	strace $0x90000048  }
0x2e: {  	_ =	sfence  }
0x2f: {  	s30 =	sld [smem:$0x0];
	_ =	sdelay $0x2  }
0x30: {  	s31 =	sshll.u32 s1, $0xD;
	s1 =	sshrl.u32 s1, $0x2  }
0x31: {  	s3 =	sand.u32 $0x4000, s31;
	s1 =	sadd.s32 s1, s30  }
0x32: {  	s0 =	sor.u32 s3, s0;
	s1 =	sshll.u32 s1, $0x11  }
0x33: {  	s0 =	sor.u32 s1, s0  }
0x34: {  	s0 =	sadd.s32 $0x8F2B, s0  }
0x35: {  	[sflag:s0] =	ssyncadd.remote.s32 $0x1  }
0x36: {  	_ =	sfence.sel $0xFFFF  }
0x37: {  	[dreg:$0x0] =	wrdreg $0xFFFFFFFF;
	(pc) =	sbr.abs _section_cstart, $3  }
0x38: {  	[dreg:$0x1] =	wrdreg $0xFFFFFFFF  }
0x39: {  	_ =	task.clear_ibuf [dreg:s7], $0x2FFFF;
	_ =	strace $0x9FFFFFFF  }
0x3a: {  	(tm) =	ssettm $0x7FFFFFFF  }
0x3b: {  	_ =	shalt  }
tec
execute0_lowered:
.L_overlay_start_1:
0x0: {  	(tag) =	ssettag $0x1  }
0x1: {  	s0 =	srdreg.scid;
	s2 =	rddreg [dreg:$0x0]  }
0x2: {  	s5 =	rddreg [dreg:$0x1];
	s1 =	sshll.u32 s0, $0x4  }
0x3: {  	s7 =	simm.s32 $0x1;
	s0 =	stileid.u32;
	s1 =	sand.u32 $0x10, s1  }
0x4: {  	s8 =	simm.s32 $0x2;
	s12 =	simm.s32 $0x0;
	s1 =	sor.u32 s0, s1  }
0x5: {  	s13 =	simm.s32 $0x0;
	s9 =	simm.s32 $0x0;
	s3 =	sshll.u32 s1, $0x3  }
0x6: {  	s11 =	simm.s32 $0x0;
	s5 =	sadd.s32 $0x400, s5;
	s6 =	ssub.s32 $0x1000, s3  }
.Ltmp0:
0x7: {  	s1 =	rddreg [dreg:$0x2];
	s4 =	sand.u32 $0xF8, s6;
	(pc) =	sbr.rel .LBB1_1-.Ltmp0, $4  }
0x8: {  	_ =	strace $0x80000047;
	p0 =	sne.s32 s4, $0x0;
	s4 =	simm.s32 $0x1  }
0x9: {  	s6 =	sshrl.u32 s6, $0x8;
	s7 =	simm.s32 @!p0 $0x0;
	[sflag:s4] =	ssyncpa.u1 $0x0  }
0xa: {  	s10 =	smov.u32 s3;
	s7 =	sadd.s32 s7, s6;
	[sflag:s8] =	ssyncpa.u1 $0x0  }
0xb: {  	s8 =	simm.s32 $0x0;
	s6 =	sshll.u32 s7, $0x1;
	s7 =	sshllo.u32 s7, $0x1  }
.LBB1_7:
0xc: {  	s14 =	sadd.s32 $0x800, s9  }
0xd: {  	s12 =	sadd.s32 $0x100, s10;
	s16 =	smov.u32 s10;
	p1 =	sgt.s32 s14, $0xFFF  }
0xe: {  	s16 =	smov.u32 @p1 s12  }
0xf: {  	s14 =	simm.s32 @p1 $0x0;
	p1 =	sgt.s32 s16, $0xFFF  }
0x10: {  	s16 =	smov.u32 @p1 s3;
	p1 =	sne.s32 s11, s7  }
.Ltmp1:
0x11: {  	p0 =	slt.u32 s11, $0x2;
	(pc) =	sbr.rel @!p1 .LBB1_8-.Ltmp1, $4  }
0x12: {  	s15 =	simm.s32 @!p0 $0x2  }
0x13: {  	s13 =	smov.u32 s10;
	s8 =	sadd.s32 $0x4000, s8;
	_ =	swait.ge @!p0 [sflag:s15], $0x4000  }
0x14: {  	s12 =	smov.u32 s9;
	[sflag:s15] =	ssyncset.done @!p0 $0x0;
	s9 =	smov.u32 s14  }
0x15: {  	s11 =	sadd.s32 $0x1, s11;
	[sflag:s15] =	ssyncadd.s32 @!p0 $0xFFFFC000;
	s10 =	smov.u32 s16  }
.LBB1_1:
0x16: {  	p0 =	sge.u32 s11, s6;
	s31 =	sadd.s32 $0xFFFFFFFF, s11  }
0x17: {  	s14 =	sxor.u32 @!p0 $0xFFFFFFFF, s11;
	s15 =	sshll.u32 @!p0 s10, $0x9;
	s16 =	sshrl.u32 @!p0 s9, $0x3  }
0x18: {  	s17 =	sand.u32 @!p0 $0x7, s9;
	s14 =	sshll.u32 @!p0 s14, $0xE;
	s16 =	sand.u32 @!p0 $0x1FF, s16  }
0x19: {  	s15 =	sadd.s32 @!p0 s2, s15;
	s17 =	sshll.u32 @!p0 s17, $0x12;
	s14 =	sand.u32 @!p0 $0x4000, s14  }
0x1a: {  	s15 =	sadd.s32 @!p0 s16, s15;
	s16 =	sor.u32 @!p0 $0x800, s17;
	s17 =	simm.s32 @!p0 $0x1000  }
0x1b: {  	[tilespmem:s14], [sflag:$0x1] =	stream.strided.gather @!p0 [hbm4b:s15+s16], $0x4000, s17, s16, $0x38;
	[tilespmem:$0x10000] =	vst v63  }
0x1c: {  	p0 =	sge.u32 s31, s6  }
.Ltmp2:
0x1d: {  	_ = 	snop;
	(pc) =	sbr.rel @p0 .LBB1_7-.Ltmp2, $1  }
0x1e: {  	_ =	sdelay $0x3  }
0x1f: {  	s14 =	sand.u32 $0x4000, s8  }
0x20: {  	_ =	swait.ge [sflag:s4], $0x4000;
	s17 =	sshll.u32 s11, $0xE;
	s15 =	sor.u32 $0x100, s14  }
0x21: {  	s16 =	sor.u32 $0x8800, s14;
	[sflag:s4] =	ssyncset.done $0x0;
	s31 =	sand.u32 $0x4000, s17  }
0x22: {  	s17 =	simm.s32 $0x0;
	[sflag:s4] =	ssyncadd.s32 $0xFFFFC000;
	s14 =	sor.u32 $0x8000, s31  }
.LBB1_3:
0x23: {  	v0 =	vld [tilespmem:s15+$0xF0]  }
0x24: {  	v1 =	vld [tilespmem:s15+$0xFFFFFF10]  }
0x25: {  	v2 =	vld [tilespmem:s15+$0xFFFFFF20]  }
0x26: {  	v3 =	vld [tilespmem:s15+$0xFFFFFF30]  }
0x27: {  	v4 =	vld [tilespmem:s15+$0xFFFFFF40]  }
0x28: {  	v5 =	vld [tilespmem:s15+$0xFFFFFF50];
	[tilespmem:s16+$0x470] =	vst v0  }
0x29: {  	[tilespmem:s16+$0xFFFFF810] =	vst v1;
	v0 =	vld [tilespmem:s15+$0xFFFFFF60]  }
0x2a: {  	[tilespmem:s16+$0xFFFFF820] =	vst v2;
	v1 =	vld [tilespmem:s15+$0xFFFFFF70]  }
0x2b: {  	[tilespmem:s16+$0xFFFFF830] =	vst v3;
	v2 =	vld [tilespmem:s15+$0xFFFFFF80]  }
0x2c: {  	[tilespmem:s16+$0xFFFFF840] =	vst v4;
	v3 =	vld [tilespmem:s15+$0xFFFFFF90]  }
0x2d: {  	[tilespmem:s16+$0xFFFFF850] =	vst v5;
	v4 =	vld [tilespmem:s15+$0xFFFFFFA0]  }
0x2e: {  	v5 =	vld [tilespmem:s15+$0xA0];
	[tilespmem:s16+$0xFFFFF860] =	vst v0  }
0x2f: {  	v0 =	vld [tilespmem:s15+$0xFFFFFFB0];
	[tilespmem:s16+$0xFFFFF870] =	vst v1  }
0x30: {  	v1 =	vld [tilespmem:s15+$0xFFFFFFC0];
	[tilespmem:s16+$0xFFFFFC00] =	vst v2  }
0x31: {  	[tilespmem:s16+$0xFFFFFC10] =	vst v3;
	v3 =	vld [tilespmem:s15+$0xFFFFFFE0]  }
0x32: {  	[tilespmem:s16+$0xFFFFFC20] =	vst v4;
	v4 =	vld [tilespmem:s15+$0xFFFFFFF0]  }
0x33: {  	v2 =	vld [tilespmem:s15+$0xFFFFFFD0];
	[tilespmem:s16+$0x420] =	vst v5  }
0x34: {  	[tilespmem:s16+$0xFFFFFC30] =	vst v0;
	v0 =	vld [tilespmem:s15+$0x0]  }
0x35: {  	[tilespmem:s16+$0xFFFFFC40] =	vst v1;
	v1 =	vld [tilespmem:s15+$0x10]  }
0x36: {  	[tilespmem:s16+$0xFFFFFC60] =	vst v3;
	v3 =	vld [tilespmem:s15+$0x30]  }
0x37: {  	[tilespmem:s16+$0xFFFFFC70] =	vst v4;
	v4 =	vld [tilespmem:s15+$0x40]  }
0x38: {  	[tilespmem:s16+$0xFFFFFC50] =	vst v2;
	v2 =	vld [tilespmem:s15+$0x20]  }
0x39: {  	[tilespmem:s16+$0x0] =	vst v0;
	v0 =	vld [tilespmem:s15+$0x50]  }
0x3a: {  	[tilespmem:s16+$0x10] =	vst v1;
	v1 =	vld [tilespmem:s15+$0x60]  }
0x3b: {  	[tilespmem:s16+$0x30] =	vst v3;
	v3 =	vld [tilespmem:s15+$0x80]  }
0x3c: {  	[tilespmem:s16+$0x40] =	vst v4;
	v4 =	vld [tilespmem:s15+$0x90]  }
0x3d: {  	[tilespmem:s16+$0x20] =	vst v2;
	v2 =	vld [tilespmem:s15+$0x70]  }
0x3e: {  	[tilespmem:s16+$0x50] =	vst v0;
	v0 =	vld [tilespmem:s15+$0xB0]  }
0x3f: {  	[tilespmem:s16+$0x60] =	vst v1;
	v1 =	vld [tilespmem:s15+$0xC0]  }
0x40: {  	[tilespmem:s16+$0x400] =	vst v3;
	v3 =	vld [tilespmem:s15+$0xD0]  }
0x41: {  	[tilespmem:s16+$0x410] =	vst v4;
	v4 =	vld [tilespmem:s15+$0xE0]  }
0x42: {  	s19 =	simm.s32 $0x0;
	s20 =	sadd.s32 $0x200, s15;
	s18 =	smov.u32 s16;
	[tilespmem:s16+$0x70] =	vst v2;
	v2 =	vld [tilespmem:s15+$0xFFFFFF00]  }
.LBB1_4:
0x43: {  	v5 =	vld [tilespmem:s20+$0xF0];
	s19 =	sadd.s32 $0x200, s19;
	[tilespmem:s18+$0x430] =	vst v0  }
0x44: {  	v0 =	vld [tilespmem:s20+$0xFFFFFF10];
	p0 =	slt.u32 s19, $0x600;
	[tilespmem:s18+$0x440] =	vst v1  }
0x45: {  	v1 =	vld [tilespmem:s20+$0xFFFFFF20];
	[tilespmem:s18+$0x450] =	vst v3  }
0x46: {  	v3 =	vld [tilespmem:s20+$0xFFFFFF30];
	[tilespmem:s18+$0x460] =	vst v4  }
0x47: {  	v4 =	vld [tilespmem:s20+$0xFFFFFF40];
	[tilespmem:s18+$0xFFFFF800] =	vst v2;
	s18 =	sadd.s32 $0x1000, s18  }
0x48: {  	v2 =	vld [tilespmem:s20+$0xFFFFFF50];
	[tilespmem:s18+$0x470] =	vst v5  }
0x49: {  	[tilespmem:s18+$0xFFFFF810] =	vst v0;
	v0 =	vld [tilespmem:s20+$0xFFFFFF60]  }
0x4a: {  	[tilespmem:s18+$0xFFFFF820] =	vst v1;
	v1 =	vld [tilespmem:s20+$0xFFFFFF70]  }
0x4b: {  	[tilespmem:s18+$0xFFFFF830] =	vst v3;
	v3 =	vld [tilespmem:s20+$0xFFFFFF80]  }
0x4c: {  	[tilespmem:s18+$0xFFFFF840] =	vst v4;
	v4 =	vld [tilespmem:s20+$0xFFFFFF90]  }
0x4d: {  	[tilespmem:s18+$0xFFFFF850] =	vst v2;
	v2 =	vld [tilespmem:s20+$0xFFFFFFA0]  }
0x4e: {  	[tilespmem:s18+$0xFFFFF860] =	vst v0;
	v0 =	vld [tilespmem:s20+$0xFFFFFFB0]  }
0x4f: {  	[tilespmem:s18+$0xFFFFF870] =	vst v1;
	v1 =	vld [tilespmem:s20+$0xFFFFFFC0]  }
0x50: {  	[tilespmem:s18+$0xFFFFFC00] =	vst v3;
	v3 =	vld [tilespmem:s20+$0xFFFFFFD0]  }
0x51: {  	[tilespmem:s18+$0xFFFFFC10] =	vst v4;
	v4 =	vld [tilespmem:s20+$0xFFFFFFE0]  }
0x52: {  	[tilespmem:s18+$0xFFFFFC20] =	vst v2;
	v2 =	vld [tilespmem:s20+$0xFFFFFFF0]  }
0x53: {  	[tilespmem:s18+$0xFFFFFC30] =	vst v0;
	v0 =	vld [tilespmem:s20+$0x0]  }
0x54: {  	[tilespmem:s18+$0xFFFFFC40] =	vst v1;
	v1 =	vld [tilespmem:s20+$0x10]  }
0x55: {  	[tilespmem:s18+$0xFFFFFC50] =	vst v3;
	v3 =	vld [tilespmem:s20+$0x20]  }
0x56: {  	[tilespmem:s18+$0xFFFFFC60] =	vst v4;
	v4 =	vld [tilespmem:s20+$0x30]  }
0x57: {  	[tilespmem:s18+$0xFFFFFC70] =	vst v2;
	v2 =	vld [tilespmem:s20+$0x40]  }
0x58: {  	[tilespmem:s18+$0x0] =	vst v0;
	v0 =	vld [tilespmem:s20+$0x50]  }
0x59: {  	[tilespmem:s18+$0x10] =	vst v1;
	v1 =	vld [tilespmem:s20+$0x60]  }
0x5a: {  	[tilespmem:s18+$0x20] =	vst v3;
	v3 =	vld [tilespmem:s20+$0x70]  }
0x5b: {  	[tilespmem:s18+$0x30] =	vst v4;
	v4 =	vld [tilespmem:s20+$0x80]  }
0x5c: {  	[tilespmem:s18+$0x40] =	vst v2;
	v2 =	vld [tilespmem:s20+$0x90]  }
0x5d: {  	[tilespmem:s18+$0x50] =	vst v0;
	v5 =	vld [tilespmem:s20+$0xA0]  }
.Ltmp3:
0x5e: {  	[tilespmem:s18+$0x60] =	vst v1;
	v0 =	vld [tilespmem:s20+$0xB0];
	(pc) =	sbr.rel @p0 .LBB1_4-.Ltmp3, $4  }
0x5f: {  	[tilespmem:s18+$0x70] =	vst v3;
	v1 =	vld [tilespmem:s20+$0xC0]  }
0x60: {  	[tilespmem:s18+$0x400] =	vst v4;
	v3 =	vld [tilespmem:s20+$0xD0]  }
0x61: {  	[tilespmem:s18+$0x410] =	vst v2;
	v4 =	vld [tilespmem:s20+$0xE0]  }
0x62: {  	v2 =	vld [tilespmem:s20+$0xFFFFFF00];
	[tilespmem:s18+$0x420] =	vst v5;
	s20 =	sadd.s32 $0x200, s20  }
0x63: {  	s17 =	sadd.s32 $0x1, s17  }
0x64: {  	p0 =	sne.s32 s17, $0x8  }
.Ltmp4:
0x65: {  	[tilespmem:s18+$0x430] =	vst v0;
	(pc) =	sbr.rel @p0 .LBB1_3-.Ltmp4, $4  }
0x66: {  	[tilespmem:s18+$0x440] =	vst v1  }
0x67: {  	[tilespmem:s18+$0x450] =	vst v3  }
0x68: {  	[tilespmem:s18+$0x460] =	vst v4  }
0x69: {  	s15 =	sadd.s32 $0x800, s15;
	s16 =	sadd.s32 $0x80, s16;
	[tilespmem:s18+$0xFFFFF800] =	vst v2  }
0x6a: {  	s15 =	sand.u32 $0x78, s12;
	s16 =	sshll.u32 s13, $0xC;
	s29 =	sshll.u32 s13, $0x7  }
0x6b: {  	s17 =	sshll.u32 s12, $0x3;
	s16 =	sand.u32 $0xFF8000, s16;
	s13 =	sand.u32 $0x380, s29  }
0x6c: {  	s16 =	sadd.s32 s16, s17;
	s17 =	sand.u32 $0xC00, s17;
	s13 =	sor.u32 s13, s15  }
.Ltmp5:
0x6d: {  	s30 =	sand.u32 $0xFFF000, s16;
	s13 =	sor.u32 s17, s13;
	(pc) =	sbr.rel .LBB1_7-.Ltmp5, $4  }
0x6e: {  	s13 =	sor.u32 s30, s13  }
0x6f: {  	s13 =	sshrl.u32 s13, $0x3  }
0x70: {  	s31 =	sand.u32 $0x7, s12;
	s13 =	sadd.s32 s5, s13  }
0x71: {  	[hbm4b:s13+s31] =	stream.linear.scatter [tilespmem:s14], [sflag:$0x2], $0x4000, $0x38;
	[tilespmem:$0x10000] =	vst v63  }
.LBB1_8:
0x72: {  	_ =	sfence.sel $0x180000  }
0x73: {  	s2 =	simm.s32 $0x1;
	[bflag:$0x0] =	sbarrier.arrive $0xFFFF  }
0x74: {  	s31 =	simm.s32 $0x2;
	[sflag:s2] =	ssyncpa.u1 $0x1  }
0x75: {  	[sflag:s31] =	ssyncpa.u1 $0x1  }
0x76: {  	p0 =	sne.s32 s0, $0x0;
	_ =	strace $0x90000047  }
0x77: {  	s0 =	sadd.s32 @!p0 $0x100000, s1;
	[bflag:$0x2] =	sbarrier.arrive $0xFFFF  }
0x78: {  	[sflag:s0] =	ssyncadd.tile.s32 @!p0 $0x1;
	_ =	shalt  }
.Lfunc_end1:
_tile_overlayer_lowered:
.L_overlay_start_2:
0x79: {  	(tag) =	ssettag $0x2  }
0x7a: {  	s0 =	rddreg [dreg:$0x0];
	s2 =	stileid.u32  }
0x7b: {  	s1 =	rddreg [dreg:$0x1];
	p0 =	sne.s32 s2, $0x0  }
0x7c: {  	s3 =	rddreg [dreg:$0x2];
	[bflag:$0x3] =	sbarrier.arrive $0xFFFF;
	s2 =	simm.s32 @!p0 $0x1C01  }
0x7d: {  	[timem:s3], [sflag:s2] =	dma.local @!p0 [hbm:s0], s1  }
0x7e: {  	s0 =	simm.s32 @!p0 $0x1  }
0x7f: {  	_ =	swait.ge @!p0 [sflag:s0], s1  }
0x80: {  	s1 =	ssub.s32 @!p0 $0x0, s1;
	[sflag:s0] =	ssyncset.done @!p0 $0x0  }
0x81: {  	[sflag:s0] =	ssyncadd.s32 @!p0 s1  }
0x82: {  	[bflag:$0x3] =	sbarrier.arrive $0xFFFF  }
0x83: {  	_ =	shalt  }

</sc_bundles>
